<compile_context>
chip_gen: v7x
topology: tpu7x:2x2x1
jax: 0.10.2.dev20260603
libtpu: 0.0.44.dev20260713+nightly
codegen_flags: <defaults>
</compile_context>

<pallas_src>
import functools

import jax
import jax.numpy as jnp
from jax import lax
from jax.experimental import pallas as pl
from jax.experimental.pallas import tpu as pltpu
from jax.experimental.pallas import tpu_sc as plsc

D_MODEL = 1024
SEQ = 4097
CHUNK = 16
NBUF = 6

_info = plsc.get_sparse_core_info()
_NC, _NS = _info.num_cores, _info.num_subcores
_NW = _NC * _NS
_B_PER_W = 128
_COND_W = 0
_SPILL_W = 17


def _gather_body(pix_hbm, cond_hbm, tok_hbm, out_hbm, spill_hbm,
                 idx_v, tidx_v, crow_v, sbuf_v, bufs,
                 g0, g1, g2, g3, g4, g5, w0, w1, w2, w3, w4, w5, csem):
    gsems = [g0, g1, g2, g3, g4, g5]
    wsems = [w0, w1, w2, w3, w4, w5]
    wid = lax.axis_index("s") * _NC + lax.axis_index("c")
    base = pl.multiple_of(wid * _B_PER_W, _B_PER_W)

    pltpu.sync_copy(tok_hbm.at[pl.ds(base, _B_PER_W)], idx_v)

    n_chunks = _B_PER_W // CHUNK

    def gath(i, b):
        return pltpu.make_async_copy(
            pix_hbm.at[idx_v.at[pl.ds(i * CHUNK, CHUNK)]],
            bufs.at[b], gsems[b],
        )

    def wr(i, b):
        return pltpu.make_async_copy(
            bufs.at[b], out_hbm.at[pl.ds(base + i * CHUNK, CHUNK)], wsems[b],
        )

    for i in range(NBUF):
        gath(i, i).start()

    @pl.when(wid == _COND_W)
    def _():
        pltpu.async_copy(
            cond_hbm.at[idx_v.at[pl.ds(0, 8)]], crow_v, csem
        ).start()

    @pl.when(wid == _SPILL_W)
    def _():
        pltpu.sync_copy(tok_hbm.at[pl.ds(SEQ - 9, 8)],
                        tidx_v.at[pl.ds(8, 8)])
        pltpu.sync_copy(tok_hbm.at[pl.ds(SEQ - 9, 9)],
                        tidx_v.at[pl.ds(0, 9)])
        pltpu.async_copy(pix_hbm.at[tidx_v], sbuf_v, csem).start()

    pending = {}
    for i in range(n_chunks):
        b = i % NBUF
        gath(i, b).wait()
        wr(i, b).start()
        pending[b] = i
        if i + NBUF < n_chunks:
            wr(i, b).wait()
            del pending[b]
            gath(i + NBUF, b).start()

    for b, i in pending.items():
        wr(i, b).wait()

    @pl.when(wid == _COND_W)
    def _():
        pltpu.make_async_copy(
            cond_hbm.at[idx_v.at[pl.ds(0, 8)]], crow_v, csem
        ).wait()
        pltpu.sync_copy(crow_v, spill_hbm.at[pl.ds(0, 8)])

    @pl.when(wid == _SPILL_W)
    def _():
        pltpu.make_async_copy(pix_hbm.at[tidx_v], sbuf_v, csem).wait()
        pltpu.sync_copy(sbuf_v.at[pl.ds(8, 8)], spill_hbm.at[pl.ds(8, 8)])


def _patch_body(main_ref, spill_ref, out_ref):
    i = pl.program_id(0)
    rows = lax.broadcasted_iota(jnp.int32, (8, D_MODEL), 0)
    spill_row0 = jnp.broadcast_to(spill_ref[0:1, :], (8, D_MODEL))
    merged0 = jnp.where(rows == 0, spill_row0, main_ref[...])
    out_ref[...] = jnp.where(i == 0, merged0, spill_row0)


@jax.jit
def _pixel_encoding(tokens, pixel_embed, cond_embed):
    mesh = plsc.VectorSubcoreMesh(core_axis_name="c", subcore_axis_name="s")
    run = functools.partial(
        pl.kernel,
        mesh=mesh,
        out_type=(
            jax.ShapeDtypeStruct((SEQ, D_MODEL), jnp.float32),
            jax.ShapeDtypeStruct((16, D_MODEL), jnp.float32),
        ),
        scratch_types=[
            pltpu.VMEM((_B_PER_W,), jnp.int32),
            pltpu.VMEM((16,), jnp.int32),
            pltpu.VMEM((8, D_MODEL), jnp.float32),
            pltpu.VMEM((16, D_MODEL), jnp.float32),
            pltpu.VMEM((NBUF, CHUNK, D_MODEL), jnp.float32),
        ] + [pltpu.SemaphoreType.DMA] * 13,
    )(_gather_body)
    main, spill = run(pixel_embed, cond_embed, tokens)

    return pl.pallas_call(
        _patch_body,
        out_shape=jax.ShapeDtypeStruct((SEQ, D_MODEL), jnp.float32),
        grid=(2,),
        in_specs=[
            pl.BlockSpec((8, D_MODEL), lambda i: (i * (SEQ // 8), 0)),
            pl.BlockSpec((8, D_MODEL), lambda i: (i, 0)),
        ],
        out_specs=pl.BlockSpec((8, D_MODEL), lambda i: (i * (SEQ // 8), 0)),
        input_output_aliases={0: 0},
    )(main, spill)


def kernel(tokens, pixel_embed, cond_embed):
    return _pixel_encoding(tokens, pixel_embed, cond_embed)

# --- scband reference (transcript-rebuilt; emitter-appended) ---
"""Pipeline reference for scband-pixel-encoding-11742440587874 (READ-ONLY COPY).

The authoritative reference and input builder live on the scoring server;
editing this copy changes nothing except your own understanding.
"""

import jax, jax.numpy as jnp
import numpy as np

N_TOKENS = 8192
D_MODEL = 1024
N_CLASSES = 1000
SEQ = 4097


def setup_inputs(seed: int = 0) -> dict:
    key = jax.random.key(seed)
    k1, k2, k3 = jax.random.split(key, 3)
    tokens = jax.random.randint(k1, (SEQ,), 0, N_CLASSES, dtype=jnp.int64 if jax.config.jax_enable_x64 else jnp.int32)
    pixel_embed = jax.random.normal(k2, (N_TOKENS, D_MODEL), dtype=jnp.float32)
    cond_embed = jax.random.normal(k3, (N_CLASSES, D_MODEL), dtype=jnp.float32)
    return {"tokens": tokens, "pixel_embed": pixel_embed, "cond_embed": cond_embed}


def reference(tokens, pixel_embed, cond_embed):
    # token1 = self.cond_embed(tokens[0:1])
    token1 = jnp.take(cond_embed, tokens[0:1], axis=0)
    # token2 = self.pixel_embed(tokens[1:])
    token2 = jnp.take(pixel_embed, tokens[1:], axis=0)
    return jnp.concatenate([token1, token2], axis=0)

if __name__ == "__main__":
    import jax
    _d = setup_inputs()
    print(jax.jit(kernel)(*tuple(_d.values())))

</pallas_src>

<mosaic_0001>
#map = affine_map<(d0, d1) -> (0, 0)>
#map1 = affine_map<(d0, d1) -> (0)>
module attributes {stable_mosaic.version = 14 : i64} {
  func.func @_gather_body(%arg0: i32, %arg1: i32, %arg2: memref<8192x1024xf32, #tpu.memory_space<hbm>>, %arg3: memref<1000x1024xf32, #tpu.memory_space<hbm>>, %arg4: memref<4097xi32, #tpu.memory_space<hbm>>, %arg5: memref<4097x1024xf32, #tpu.memory_space<hbm>>, %arg6: memref<16x1024xf32, #tpu.memory_space<hbm>>, %arg7: memref<128xi32, #tpu.memory_space<vmem>>, %arg8: memref<16xi32, #tpu.memory_space<vmem>>, %arg9: memref<8x1024xf32, #tpu.memory_space<vmem>>, %arg10: memref<16x1024xf32, #tpu.memory_space<vmem>>, %arg11: memref<6x16x1024xf32, #tpu.memory_space<vmem>>, %arg12: memref<!tpu.dma_semaphore, #tpu.memory_space<semaphore_mem>>, %arg13: memref<!tpu.dma_semaphore, #tpu.memory_space<semaphore_mem>>, %arg14: memref<!tpu.dma_semaphore, #tpu.memory_space<semaphore_mem>>, %arg15: memref<!tpu.dma_semaphore, #tpu.memory_space<semaphore_mem>>, %arg16: memref<!tpu.dma_semaphore, #tpu.memory_space<semaphore_mem>>, %arg17: memref<!tpu.dma_semaphore, #tpu.memory_space<semaphore_mem>>, %arg18: memref<!tpu.dma_semaphore, #tpu.memory_space<semaphore_mem>>, %arg19: memref<!tpu.dma_semaphore, #tpu.memory_space<semaphore_mem>>, %arg20: memref<!tpu.dma_semaphore, #tpu.memory_space<semaphore_mem>>, %arg21: memref<!tpu.dma_semaphore, #tpu.memory_space<semaphore_mem>>, %arg22: memref<!tpu.dma_semaphore, #tpu.memory_space<semaphore_mem>>, %arg23: memref<!tpu.dma_semaphore, #tpu.memory_space<semaphore_mem>>, %arg24: memref<!tpu.dma_semaphore, #tpu.memory_space<semaphore_mem>>) attributes {dimension_semantics = [#tpu.dimension_semantics<core_parallel>, #tpu.dimension_semantics<subcore_parallel>], iteration_bounds = array<i64: 2, 16>, scalar_prefetch = 0 : i64, scratch_operands = 18 : i64, tpu.core_type = #tpu.core_type<sc_vector_subcore>, window_params = [{transform_indices = #map}, {transform_indices = #map}, {transform_indices = #map1}, {transform_indices = #map}, {transform_indices = #map}]} {
    %mul3A = arith.constant 2 : i32
    %mul3A_0 = arith.muli %arg1, %mul3A : i32
    %add3A = arith.addi %mul3A_0, %arg0 : i32
    %mul3A_1 = arith.constant 128 : i32
    %mul3A_2 = arith.muli %add3A, %mul3A_1 : i32
    %multiple_of3A = tpu.assume_multiple %mul3A_2, 128 : i32
    "tpu.region"() ({
      %run_scoped3A = tpu.sem_alloc : memref<!tpu.dma_semaphore, #tpu.memory_space<semaphore_mem>>
      %dma_start3A_418 = tpu.memref_slice %arg4[%multiple_of3A] : memref<4097xi32, #tpu.memory_space<hbm>> -> memref<128xi32, #tpu.memory_space<hbm>>
      %dma_start3A_419 = tpu.memref_slice %arg4[%multiple_of3A] : memref<4097xi32, #tpu.memory_space<hbm>> -> memref<128xi32, #tpu.memory_space<hbm>>
      tpu.enqueue_dma source(%dma_start3A_419 : memref<128xi32, #tpu.memory_space<hbm>>) target(%arg7 : memref<128xi32, #tpu.memory_space<vmem>>) target_semaphore(%run_scoped3A : memref<!tpu.dma_semaphore, #tpu.memory_space<semaphore_mem>>)
      %dma_wait3A_420 = tpu.memref_slice %arg4[%multiple_of3A] : memref<4097xi32, #tpu.memory_space<hbm>> -> memref<128xi32, #tpu.memory_space<hbm>>
      %dma_wait3A_421 = tpu.memref_slice %arg4[%multiple_of3A] : memref<4097xi32, #tpu.memory_space<hbm>> -> memref<128xi32, #tpu.memory_space<hbm>>
      tpu.wait_dma2 semaphore(%run_scoped3A : memref<!tpu.dma_semaphore, #tpu.memory_space<semaphore_mem>>) src(%dma_wait3A_421 : memref<128xi32, #tpu.memory_space<hbm>>) dst(%arg7 : memref<128xi32, #tpu.memory_space<vmem>>)
      tpu.yield
    }) : () -> ()
    %dma_start3A = arith.constant 0 : i32
    %dma_start3A_3 = arith.constant 0 : i32
    %dma_start3A_4 = arith.constant 0 : i32
    %dma_start3A_5 = tpu.memref_slice %arg11[%dma_start3A, %dma_start3A_3, %dma_start3A_4] : memref<6x16x1024xf32, #tpu.memory_space<vmem>> -> memref<1x16x1024xf32, #tpu.memory_space<vmem>>
    %dma_start3A_6 = tpu.memref_squeeze %dma_start3A_5 : memref<1x16x1024xf32, #tpu.memory_space<vmem>> -> memref<16x1024xf32, #tpu.memory_space<vmem>>
    %dma_start3A_7 = arith.constant 0 : i32
    %dma_start3A_8 = tpu.memref_slice %arg7[%dma_start3A_7] : memref<128xi32, #tpu.memory_space<vmem>> -> memref<16xi32, #tpu.memory_space<vmem>>
    %dma_start3A_9 = arith.constant 0 : i32
    %dma_start3A_10 = arith.constant 0 : i32
    %dma_start3A_11 = tpu.memref_slice %arg2[%dma_start3A_9, %dma_start3A_10] : memref<8192x1024xf32, #tpu.memory_space<hbm>> -> memref<8192x1024xf32, #tpu.memory_space<hbm>>
    tpu.enqueue_indirect_dma source(%dma_start3A_11 : memref<8192x1024xf32, #tpu.memory_space<hbm>>) target(%dma_start3A_6 : memref<16x1024xf32, #tpu.memory_space<vmem>>) offsets(%dma_start3A_8 : memref<16xi32, #tpu.memory_space<vmem>>) semaphore(%arg12 : memref<!tpu.dma_semaphore, #tpu.memory_space<semaphore_mem>>)
    %dma_start3A_12 = arith.constant 1 : i32
    %dma_start3A_13 = arith.constant 0 : i32
    %dma_start3A_14 = arith.constant 0 : i32
    %dma_start3A_15 = tpu.memref_slice %arg11[%dma_start3A_12, %dma_start3A_13, %dma_start3A_14] : memref<6x16x1024xf32, #tpu.memory_space<vmem>> -> memref<1x16x1024xf32, #tpu.memory_space<vmem>>
    %dma_start3A_16 = tpu.memref_squeeze %dma_start3A_15 : memref<1x16x1024xf32, #tpu.memory_space<vmem>> -> memref<16x1024xf32, #tpu.memory_space<vmem>>
    %dma_start3A_17 = arith.constant 16 : i32
    %dma_start3A_18 = tpu.memref_slice %arg7[%dma_start3A_17] : memref<128xi32, #tpu.memory_space<vmem>> -> memref<16xi32, #tpu.memory_space<vmem>>
    %dma_start3A_19 = arith.constant 0 : i32
    %dma_start3A_20 = arith.constant 0 : i32
    %dma_start3A_21 = tpu.memref_slice %arg2[%dma_start3A_19, %dma_start3A_20] : memref<8192x1024xf32, #tpu.memory_space<hbm>> -> memref<8192x1024xf32, #tpu.memory_space<hbm>>
    tpu.enqueue_indirect_dma source(%dma_start3A_21 : memref<8192x1024xf32, #tpu.memory_space<hbm>>) target(%dma_start3A_16 : memref<16x1024xf32, #tpu.memory_space<vmem>>) offsets(%dma_start3A_18 : memref<16xi32, #tpu.memory_space<vmem>>) semaphore(%arg13 : memref<!tpu.dma_semaphore, #tpu.memory_space<semaphore_mem>>)
    %dma_start3A_22 = arith.constant 2 : i32
    %dma_start3A_23 = arith.constant 0 : i32
    %dma_start3A_24 = arith.constant 0 : i32
    %dma_start3A_25 = tpu.memref_slice %arg11[%dma_start3A_22, %dma_start3A_23, %dma_start3A_24] : memref<6x16x1024xf32, #tpu.memory_space<vmem>> -> memref<1x16x1024xf32, #tpu.memory_space<vmem>>
    %dma_start3A_26 = tpu.memref_squeeze %dma_start3A_25 : memref<1x16x1024xf32, #tpu.memory_space<vmem>> -> memref<16x1024xf32, #tpu.memory_space<vmem>>
    %dma_start3A_27 = arith.constant 32 : i32
    %dma_start3A_28 = tpu.memref_slice %arg7[%dma_start3A_27] : memref<128xi32, #tpu.memory_space<vmem>> -> memref<16xi32, #tpu.memory_space<vmem>>
    %dma_start3A_29 = arith.constant 0 : i32
    %dma_start3A_30 = arith.constant 0 : i32
    %dma_start3A_31 = tpu.memref_slice %arg2[%dma_start3A_29, %dma_start3A_30] : memref<8192x1024xf32, #tpu.memory_space<hbm>> -> memref<8192x1024xf32, #tpu.memory_space<hbm>>
    tpu.enqueue_indirect_dma source(%dma_start3A_31 : memref<8192x1024xf32, #tpu.memory_space<hbm>>) target(%dma_start3A_26 : memref<16x1024xf32, #tpu.memory_space<vmem>>) offsets(%dma_start3A_28 : memref<16xi32, #tpu.memory_space<vmem>>) semaphore(%arg14 : memref<!tpu.dma_semaphore, #tpu.memory_space<semaphore_mem>>)
    %dma_start3A_32 = arith.constant 3 : i32
    %dma_start3A_33 = arith.constant 0 : i32
    %dma_start3A_34 = arith.constant 0 : i32
    %dma_start3A_35 = tpu.memref_slice %arg11[%dma_start3A_32, %dma_start3A_33, %dma_start3A_34] : memref<6x16x1024xf32, #tpu.memory_space<vmem>> -> memref<1x16x1024xf32, #tpu.memory_space<vmem>>
    %dma_start3A_36 = tpu.memref_squeeze %dma_start3A_35 : memref<1x16x1024xf32, #tpu.memory_space<vmem>> -> memref<16x1024xf32, #tpu.memory_space<vmem>>
    %dma_start3A_37 = arith.constant 48 : i32
    %dma_start3A_38 = tpu.memref_slice %arg7[%dma_start3A_37] : memref<128xi32, #tpu.memory_space<vmem>> -> memref<16xi32, #tpu.memory_space<vmem>>
    %dma_start3A_39 = arith.constant 0 : i32
    %dma_start3A_40 = arith.constant 0 : i32
    %dma_start3A_41 = tpu.memref_slice %arg2[%dma_start3A_39, %dma_start3A_40] : memref<8192x1024xf32, #tpu.memory_space<hbm>> -> memref<8192x1024xf32, #tpu.memory_space<hbm>>
    tpu.enqueue_indirect_dma source(%dma_start3A_41 : memref<8192x1024xf32, #tpu.memory_space<hbm>>) target(%dma_start3A_36 : memref<16x1024xf32, #tpu.memory_space<vmem>>) offsets(%dma_start3A_38 : memref<16xi32, #tpu.memory_space<vmem>>) semaphore(%arg15 : memref<!tpu.dma_semaphore, #tpu.memory_space<semaphore_mem>>)
    %dma_start3A_42 = arith.constant 4 : i32
    %dma_start3A_43 = arith.constant 0 : i32
    %dma_start3A_44 = arith.constant 0 : i32
    %dma_start3A_45 = tpu.memref_slice %arg11[%dma_start3A_42, %dma_start3A_43, %dma_start3A_44] : memref<6x16x1024xf32, #tpu.memory_space<vmem>> -> memref<1x16x1024xf32, #tpu.memory_space<vmem>>
    %dma_start3A_46 = tpu.memref_squeeze %dma_start3A_45 : memref<1x16x1024xf32, #tpu.memory_space<vmem>> -> memref<16x1024xf32, #tpu.memory_space<vmem>>
    %dma_start3A_47 = arith.constant 64 : i32
    %dma_start3A_48 = tpu.memref_slice %arg7[%dma_start3A_47] : memref<128xi32, #tpu.memory_space<vmem>> -> memref<16xi32, #tpu.memory_space<vmem>>
    %dma_start3A_49 = arith.constant 0 : i32
    %dma_start3A_50 = arith.constant 0 : i32
    %dma_start3A_51 = tpu.memref_slice %arg2[%dma_start3A_49, %dma_start3A_50] : memref<8192x1024xf32, #tpu.memory_space<hbm>> -> memref<8192x1024xf32, #tpu.memory_space<hbm>>
    tpu.enqueue_indirect_dma source(%dma_start3A_51 : memref<8192x1024xf32, #tpu.memory_space<hbm>>) target(%dma_start3A_46 : memref<16x1024xf32, #tpu.memory_space<vmem>>) offsets(%dma_start3A_48 : memref<16xi32, #tpu.memory_space<vmem>>) semaphore(%arg16 : memref<!tpu.dma_semaphore, #tpu.memory_space<semaphore_mem>>)
    %dma_start3A_52 = arith.constant 5 : i32
    %dma_start3A_53 = arith.constant 0 : i32
    %dma_start3A_54 = arith.constant 0 : i32
    %dma_start3A_55 = tpu.memref_slice %arg11[%dma_start3A_52, %dma_start3A_53, %dma_start3A_54] : memref<6x16x1024xf32, #tpu.memory_space<vmem>> -> memref<1x16x1024xf32, #tpu.memory_space<vmem>>
    %dma_start3A_56 = tpu.memref_squeeze %dma_start3A_55 : memref<1x16x1024xf32, #tpu.memory_space<vmem>> -> memref<16x1024xf32, #tpu.memory_space<vmem>>
    %dma_start3A_57 = arith.constant 80 : i32
    %dma_start3A_58 = tpu.memref_slice %arg7[%dma_start3A_57] : memref<128xi32, #tpu.memory_space<vmem>> -> memref<16xi32, #tpu.memory_space<vmem>>
    %dma_start3A_59 = arith.constant 0 : i32
    %dma_start3A_60 = arith.constant 0 : i32
    %dma_start3A_61 = tpu.memref_slice %arg2[%dma_start3A_59, %dma_start3A_60] : memref<8192x1024xf32, #tpu.memory_space<hbm>> -> memref<8192x1024xf32, #tpu.memory_space<hbm>>
    tpu.enqueue_indirect_dma source(%dma_start3A_61 : memref<8192x1024xf32, #tpu.memory_space<hbm>>) target(%dma_start3A_56 : memref<16x1024xf32, #tpu.memory_space<vmem>>) offsets(%dma_start3A_58 : memref<16xi32, #tpu.memory_space<vmem>>) semaphore(%arg17 : memref<!tpu.dma_semaphore, #tpu.memory_space<semaphore_mem>>)
    %eq3A = arith.constant 0 : i32
    %eq3A_62 = arith.cmpi eq, %add3A, %eq3A : i32
    %convert_element_type3A = arith.extui %eq3A_62 : i1 to i32
    %cond3A = arith.constant 0 : i32
    %cond3A_63 = arith.cmpi ne, %convert_element_type3A, %cond3A : i32
    scf.if %cond3A_63 {
      %dma_start3A_418 = arith.constant 0 : i32
      %dma_start3A_419 = tpu.memref_slice %arg7[%dma_start3A_418] : memref<128xi32, #tpu.memory_space<vmem>> -> memref<8xi32, #tpu.memory_space<vmem>>
      %dma_start3A_420 = arith.constant 0 : i32
      %dma_start3A_421 = arith.constant 0 : i32
      %dma_start3A_422 = tpu.memref_slice %arg3[%dma_start3A_420, %dma_start3A_421] : memref<1000x1024xf32, #tpu.memory_space<hbm>> -> memref<1000x1024xf32, #tpu.memory_space<hbm>>
      tpu.enqueue_indirect_dma source(%dma_start3A_422 : memref<1000x1024xf32, #tpu.memory_space<hbm>>) target(%arg9 : memref<8x1024xf32, #tpu.memory_space<vmem>>) offsets(%dma_start3A_419 : memref<8xi32, #tpu.memory_space<vmem>>) semaphore(%arg24 : memref<!tpu.dma_semaphore, #tpu.memory_space<semaphore_mem>>)
      %dma_start3A_423 = arith.constant 0 : i32
      %dma_start3A_424 = tpu.memref_slice %arg7[%dma_start3A_423] : memref<128xi32, #tpu.memory_space<vmem>> -> memref<8xi32, #tpu.memory_space<vmem>>
      %dma_start3A_425 = arith.constant 0 : i32
      %dma_start3A_426 = arith.constant 0 : i32
      %dma_start3A_427 = tpu.memref_slice %arg3[%dma_start3A_425, %dma_start3A_426] : memref<1000x1024xf32, #tpu.memory_space<hbm>> -> memref<1000x1024xf32, #tpu.memory_space<hbm>>
      tpu.enqueue_indirect_dma source(%dma_start3A_427 : memref<1000x1024xf32, #tpu.memory_space<hbm>>) target(%arg9 : memref<8x1024xf32, #tpu.memory_space<vmem>>) offsets(%dma_start3A_424 : memref<8xi32, #tpu.memory_space<vmem>>) semaphore(%arg24 : memref<!tpu.dma_semaphore, #tpu.memory_space<semaphore_mem>>)
    } else {
    }
    %eq3A_64 = arith.constant 17 : i32
    %eq3A_65 = arith.cmpi eq, %add3A, %eq3A_64 : i32
    %convert_element_type3A_66 = arith.extui %eq3A_65 : i1 to i32
    %cond3A_67 = arith.constant 0 : i32
    %cond3A_68 = arith.cmpi ne, %convert_element_type3A_66, %cond3A_67 : i32
    scf.if %cond3A_68 {
      "tpu.region"() ({
        %run_scoped3A = tpu.sem_alloc : memref<!tpu.dma_semaphore, #tpu.memory_space<semaphore_mem>>
        %dma_start3A_424 = arith.constant 8 : i32
        %dma_start3A_425 = tpu.memref_slice %arg8[%dma_start3A_424] : memref<16xi32, #tpu.memory_space<vmem>> -> memref<8xi32, #tpu.memory_space<vmem>>
        %dma_start3A_426 = arith.constant 4088 : i32
        %dma_start3A_427 = tpu.memref_slice %arg4[%dma_start3A_426] : memref<4097xi32, #tpu.memory_space<hbm>> -> memref<8xi32, #tpu.memory_space<hbm>>
        %dma_start3A_428 = arith.constant 8 : i32
        %dma_start3A_429 = tpu.memref_slice %arg8[%dma_start3A_428] : memref<16xi32, #tpu.memory_space<vmem>> -> memref<8xi32, #tpu.memory_space<vmem>>
        %dma_start3A_430 = arith.constant 4088 : i32
        %dma_start3A_431 = tpu.memref_slice %arg4[%dma_start3A_430] : memref<4097xi32, #tpu.memory_space<hbm>> -> memref<8xi32, #tpu.memory_space<hbm>>
        tpu.enqueue_dma source(%dma_start3A_431 : memref<8xi32, #tpu.memory_space<hbm>>) target(%dma_start3A_429 : memref<8xi32, #tpu.memory_space<vmem>>) target_semaphore(%run_scoped3A : memref<!tpu.dma_semaphore, #tpu.memory_space<semaphore_mem>>)
        %dma_wait3A_432 = arith.constant 8 : i32
        %dma_wait3A_433 = tpu.memref_slice %arg8[%dma_wait3A_432] : memref<16xi32, #tpu.memory_space<vmem>> -> memref<8xi32, #tpu.memory_space<vmem>>
        %dma_wait3A_434 = arith.constant 4088 : i32
        %dma_wait3A_435 = tpu.memref_slice %arg4[%dma_wait3A_434] : memref<4097xi32, #tpu.memory_space<hbm>> -> memref<8xi32, #tpu.memory_space<hbm>>
        %dma_wait3A_436 = arith.constant 8 : i32
        %dma_wait3A_437 = tpu.memref_slice %arg8[%dma_wait3A_436] : memref<16xi32, #tpu.memory_space<vmem>> -> memref<8xi32, #tpu.memory_space<vmem>>
        %dma_wait3A_438 = arith.constant 4088 : i32
        %dma_wait3A_439 = tpu.memref_slice %arg4[%dma_wait3A_438] : memref<4097xi32, #tpu.memory_space<hbm>> -> memref<8xi32, #tpu.memory_space<hbm>>
        tpu.wait_dma2 semaphore(%run_scoped3A : memref<!tpu.dma_semaphore, #tpu.memory_space<semaphore_mem>>) src(%dma_wait3A_439 : memref<8xi32, #tpu.memory_space<hbm>>) dst(%dma_wait3A_437 : memref<8xi32, #tpu.memory_space<vmem>>)
        tpu.yield
      }) : () -> ()
      "tpu.region"() ({
        %run_scoped3A = tpu.sem_alloc : memref<!tpu.dma_semaphore, #tpu.memory_space<semaphore_mem>>
        %dma_start3A_424 = arith.constant 0 : i32
        %dma_start3A_425 = tpu.memref_slice %arg8[%dma_start3A_424] : memref<16xi32, #tpu.memory_space<vmem>> -> memref<9xi32, #tpu.memory_space<vmem>>
        %dma_start3A_426 = arith.constant 4088 : i32
        %dma_start3A_427 = tpu.memref_slice %arg4[%dma_start3A_426] : memref<4097xi32, #tpu.memory_space<hbm>> -> memref<9xi32, #tpu.memory_space<hbm>>
        %dma_start3A_428 = arith.constant 0 : i32
        %dma_start3A_429 = tpu.memref_slice %arg8[%dma_start3A_428] : memref<16xi32, #tpu.memory_space<vmem>> -> memref<9xi32, #tpu.memory_space<vmem>>
        %dma_start3A_430 = arith.constant 4088 : i32
        %dma_start3A_431 = tpu.memref_slice %arg4[%dma_start3A_430] : memref<4097xi32, #tpu.memory_space<hbm>> -> memref<9xi32, #tpu.memory_space<hbm>>
        tpu.enqueue_dma source(%dma_start3A_431 : memref<9xi32, #tpu.memory_space<hbm>>) target(%dma_start3A_429 : memref<9xi32, #tpu.memory_space<vmem>>) target_semaphore(%run_scoped3A : memref<!tpu.dma_semaphore, #tpu.memory_space<semaphore_mem>>)
        %dma_wait3A_432 = arith.constant 0 : i32
        %dma_wait3A_433 = tpu.memref_slice %arg8[%dma_wait3A_432] : memref<16xi32, #tpu.memory_space<vmem>> -> memref<9xi32, #tpu.memory_space<vmem>>
        %dma_wait3A_434 = arith.constant 4088 : i32
        %dma_wait3A_435 = tpu.memref_slice %arg4[%dma_wait3A_434] : memref<4097xi32, #tpu.memory_space<hbm>> -> memref<9xi32, #tpu.memory_space<hbm>>
        %dma_wait3A_436 = arith.constant 0 : i32
        %dma_wait3A_437 = tpu.memref_slice %arg8[%dma_wait3A_436] : memref<16xi32, #tpu.memory_space<vmem>> -> memref<9xi32, #tpu.memory_space<vmem>>
        %dma_wait3A_438 = arith.constant 4088 : i32
        %dma_wait3A_439 = tpu.memref_slice %arg4[%dma_wait3A_438] : memref<4097xi32, #tpu.memory_space<hbm>> -> memref<9xi32, #tpu.memory_space<hbm>>
        tpu.wait_dma2 semaphore(%run_scoped3A : memref<!tpu.dma_semaphore, #tpu.memory_space<semaphore_mem>>) src(%dma_wait3A_439 : memref<9xi32, #tpu.memory_space<hbm>>) dst(%dma_wait3A_437 : memref<9xi32, #tpu.memory_space<vmem>>)
        tpu.yield
      }) : () -> ()
      %dma_start3A_418 = arith.constant 0 : i32
      %dma_start3A_419 = arith.constant 0 : i32
      %dma_start3A_420 = tpu.memref_slice %arg2[%dma_start3A_418, %dma_start3A_419] : memref<8192x1024xf32, #tpu.memory_space<hbm>> -> memref<8192x1024xf32, #tpu.memory_space<hbm>>
      tpu.enqueue_indirect_dma source(%dma_start3A_420 : memref<8192x1024xf32, #tpu.memory_space<hbm>>) target(%arg10 : memref<16x1024xf32, #tpu.memory_space<vmem>>) offsets(%arg8 : memref<16xi32, #tpu.memory_space<vmem>>) semaphore(%arg24 : memref<!tpu.dma_semaphore, #tpu.memory_space<semaphore_mem>>)
      %dma_start3A_421 = arith.constant 0 : i32
      %dma_start3A_422 = arith.constant 0 : i32
      %dma_start3A_423 = tpu.memref_slice %arg2[%dma_start3A_421, %dma_start3A_422] : memref<8192x1024xf32, #tpu.memory_space<hbm>> -> memref<8192x1024xf32, #tpu.memory_space<hbm>>
      tpu.enqueue_indirect_dma source(%dma_start3A_423 : memref<8192x1024xf32, #tpu.memory_space<hbm>>) target(%arg10 : memref<16x1024xf32, #tpu.memory_space<vmem>>) offsets(%arg8 : memref<16xi32, #tpu.memory_space<vmem>>) semaphore(%arg24 : memref<!tpu.dma_semaphore, #tpu.memory_space<semaphore_mem>>)
    } else {
    }
    %dma_wait3A = arith.constant 0 : i32
    %dma_wait3A_69 = arith.constant 0 : i32
    %dma_wait3A_70 = arith.constant 0 : i32
    %dma_wait3A_71 = tpu.memref_slice %arg11[%dma_wait3A, %dma_wait3A_69, %dma_wait3A_70] : memref<6x16x1024xf32, #tpu.memory_space<vmem>> -> memref<1x16x1024xf32, #tpu.memory_space<vmem>>
    %dma_wait3A_72 = tpu.memref_squeeze %dma_wait3A_71 : memref<1x16x1024xf32, #tpu.memory_space<vmem>> -> memref<16x1024xf32, #tpu.memory_space<vmem>>
    %dma_wait3A_73 = arith.constant 0 : i32
    %dma_wait3A_74 = tpu.memref_slice %arg7[%dma_wait3A_73] : memref<128xi32, #tpu.memory_space<vmem>> -> memref<16xi32, #tpu.memory_space<vmem>>
    %dma_wait3A_75 = arith.constant 0 : i32
    %dma_wait3A_76 = arith.constant 0 : i32
    %dma_wait3A_77 = tpu.memref_slice %arg2[%dma_wait3A_75, %dma_wait3A_76] : memref<8192x1024xf32, #tpu.memory_space<hbm>> -> memref<8192x1024xf32, #tpu.memory_space<hbm>>
    tpu.wait_indirect_dma semaphore(%arg12 : memref<!tpu.dma_semaphore, #tpu.memory_space<semaphore_mem>>) src(%dma_wait3A_77 : memref<8192x1024xf32, #tpu.memory_space<hbm>>) dst(%dma_wait3A_72 : memref<16x1024xf32, #tpu.memory_space<vmem>>)
    %add3A_78 = arith.constant 0 : i32
    %add3A_79 = arith.addi %multiple_of3A, %add3A_78 : i32
    %dma_start3A_80 = arith.constant 0 : i32
    %dma_start3A_81 = arith.constant 0 : i32
    %dma_start3A_82 = arith.constant 0 : i32
    %dma_start3A_83 = tpu.memref_slice %arg11[%dma_start3A_80, %dma_start3A_81, %dma_start3A_82] : memref<6x16x1024xf32, #tpu.memory_space<vmem>> -> memref<1x16x1024xf32, #tpu.memory_space<vmem>>
    %dma_start3A_84 = tpu.memref_squeeze %dma_start3A_83 : memref<1x16x1024xf32, #tpu.memory_space<vmem>> -> memref<16x1024xf32, #tpu.memory_space<vmem>>
    %dma_start3A_85 = arith.constant 0 : i32
    %dma_start3A_86 = tpu.memref_slice %arg5[%add3A_79, %dma_start3A_85] : memref<4097x1024xf32, #tpu.memory_space<hbm>> -> memref<16x1024xf32, #tpu.memory_space<hbm>>
    %dma_start3A_87 = arith.constant 0 : i32
    %dma_start3A_88 = tpu.memref_slice %arg5[%add3A_79, %dma_start3A_87] : memref<4097x1024xf32, #tpu.memory_space<hbm>> -> memref<16x1024xf32, #tpu.memory_space<hbm>>
    %dma_start3A_89 = arith.constant 0 : i32
    %dma_start3A_90 = arith.constant 0 : i32
    %dma_start3A_91 = tpu.memref_slice %arg11[%dma_start3A_80, %dma_start3A_89, %dma_start3A_90] : memref<6x16x1024xf32, #tpu.memory_space<vmem>> -> memref<1x16x1024xf32, #tpu.memory_space<vmem>>
    %dma_start3A_92 = tpu.memref_squeeze %dma_start3A_91 : memref<1x16x1024xf32, #tpu.memory_space<vmem>> -> memref<16x1024xf32, #tpu.memory_space<vmem>>
    tpu.enqueue_dma source(%dma_start3A_92 : memref<16x1024xf32, #tpu.memory_space<vmem>>) target(%dma_start3A_88 : memref<16x1024xf32, #tpu.memory_space<hbm>>) target_semaphore(%arg18 : memref<!tpu.dma_semaphore, #tpu.memory_space<semaphore_mem>>)
    %add3A_93 = arith.constant 0 : i32
    %add3A_94 = arith.addi %multiple_of3A, %add3A_93 : i32
    %dma_wait3A_95 = arith.constant 0 : i32
    %dma_wait3A_96 = arith.constant 0 : i32
    %dma_wait3A_97 = arith.constant 0 : i32
    %dma_wait3A_98 = tpu.memref_slice %arg11[%dma_wait3A_95, %dma_wait3A_96, %dma_wait3A_97] : memref<6x16x1024xf32, #tpu.memory_space<vmem>> -> memref<1x16x1024xf32, #tpu.memory_space<vmem>>
    %dma_wait3A_99 = tpu.memref_squeeze %dma_wait3A_98 : memref<1x16x1024xf32, #tpu.memory_space<vmem>> -> memref<16x1024xf32, #tpu.memory_space<vmem>>
    %dma_wait3A_100 = arith.constant 0 : i32
    %dma_wait3A_101 = tpu.memref_slice %arg5[%add3A_94, %dma_wait3A_100] : memref<4097x1024xf32, #tpu.memory_space<hbm>> -> memref<16x1024xf32, #tpu.memory_space<hbm>>
    %dma_wait3A_102 = arith.constant 0 : i32
    %dma_wait3A_103 = tpu.memref_slice %arg5[%add3A_94, %dma_wait3A_102] : memref<4097x1024xf32, #tpu.memory_space<hbm>> -> memref<16x1024xf32, #tpu.memory_space<hbm>>
    %dma_wait3A_104 = arith.constant 0 : i32
    %dma_wait3A_105 = arith.constant 0 : i32
    %dma_wait3A_106 = tpu.memref_slice %arg11[%dma_wait3A_95, %dma_wait3A_104, %dma_wait3A_105] : memref<6x16x1024xf32, #tpu.memory_space<vmem>> -> memref<1x16x1024xf32, #tpu.memory_space<vmem>>
    %dma_wait3A_107 = tpu.memref_squeeze %dma_wait3A_106 : memref<1x16x1024xf32, #tpu.memory_space<vmem>> -> memref<16x1024xf32, #tpu.memory_space<vmem>>
    tpu.wait_dma2 semaphore(%arg18 : memref<!tpu.dma_semaphore, #tpu.memory_space<semaphore_mem>>) src(%dma_wait3A_107 : memref<16x1024xf32, #tpu.memory_space<vmem>>) dst(%dma_wait3A_103 : memref<16x1024xf32, #tpu.memory_space<hbm>>)
    %dma_start3A_108 = arith.constant 0 : i32
    %dma_start3A_109 = arith.constant 0 : i32
    %dma_start3A_110 = arith.constant 0 : i32
    %dma_start3A_111 = tpu.memref_slice %arg11[%dma_start3A_108, %dma_start3A_109, %dma_start3A_110] : memref<6x16x1024xf32, #tpu.memory_space<vmem>> -> memref<1x16x1024xf32, #tpu.memory_space<vmem>>
    %dma_start3A_112 = tpu.memref_squeeze %dma_start3A_111 : memref<1x16x1024xf32, #tpu.memory_space<vmem>> -> memref<16x1024xf32, #tpu.memory_space<vmem>>
    %dma_start3A_113 = arith.constant 96 : i32
    %dma_start3A_114 = tpu.memref_slice %arg7[%dma_start3A_113] : memref<128xi32, #tpu.memory_space<vmem>> -> memref<16xi32, #tpu.memory_space<vmem>>
    %dma_start3A_115 = arith.constant 0 : i32
    %dma_start3A_116 = arith.constant 0 : i32
    %dma_start3A_117 = tpu.memref_slice %arg2[%dma_start3A_115, %dma_start3A_116] : memref<8192x1024xf32, #tpu.memory_space<hbm>> -> memref<8192x1024xf32, #tpu.memory_space<hbm>>
    tpu.enqueue_indirect_dma source(%dma_start3A_117 : memref<8192x1024xf32, #tpu.memory_space<hbm>>) target(%dma_start3A_112 : memref<16x1024xf32, #tpu.memory_space<vmem>>) offsets(%dma_start3A_114 : memref<16xi32, #tpu.memory_space<vmem>>) semaphore(%arg12 : memref<!tpu.dma_semaphore, #tpu.memory_space<semaphore_mem>>)
    %dma_wait3A_118 = arith.constant 1 : i32
    %dma_wait3A_119 = arith.constant 0 : i32
    %dma_wait3A_120 = arith.constant 0 : i32
    %dma_wait3A_121 = tpu.memref_slice %arg11[%dma_wait3A_118, %dma_wait3A_119, %dma_wait3A_120] : memref<6x16x1024xf32, #tpu.memory_space<vmem>> -> memref<1x16x1024xf32, #tpu.memory_space<vmem>>
    %dma_wait3A_122 = tpu.memref_squeeze %dma_wait3A_121 : memref<1x16x1024xf32, #tpu.memory_space<vmem>> -> memref<16x1024xf32, #tpu.memory_space<vmem>>
    %dma_wait3A_123 = arith.constant 16 : i32
    %dma_wait3A_124 = tpu.memref_slice %arg7[%dma_wait3A_123] : memref<128xi32, #tpu.memory_space<vmem>> -> memref<16xi32, #tpu.memory_space<vmem>>
    %dma_wait3A_125 = arith.constant 0 : i32
    %dma_wait3A_126 = arith.constant 0 : i32
    %dma_wait3A_127 = tpu.memref_slice %arg2[%dma_wait3A_125, %dma_wait3A_126] : memref<8192x1024xf32, #tpu.memory_space<hbm>> -> memref<8192x1024xf32, #tpu.memory_space<hbm>>
    tpu.wait_indirect_dma semaphore(%arg13 : memref<!tpu.dma_semaphore, #tpu.memory_space<semaphore_mem>>) src(%dma_wait3A_127 : memref<8192x1024xf32, #tpu.memory_space<hbm>>) dst(%dma_wait3A_122 : memref<16x1024xf32, #tpu.memory_space<vmem>>)
    %add3A_128 = arith.constant 16 : i32
    %add3A_129 = arith.addi %multiple_of3A, %add3A_128 : i32
    %dma_start3A_130 = arith.constant 1 : i32
    %dma_start3A_131 = arith.constant 0 : i32
    %dma_start3A_132 = arith.constant 0 : i32
    %dma_start3A_133 = tpu.memref_slice %arg11[%dma_start3A_130, %dma_start3A_131, %dma_start3A_132] : memref<6x16x1024xf32, #tpu.memory_space<vmem>> -> memref<1x16x1024xf32, #tpu.memory_space<vmem>>
    %dma_start3A_134 = tpu.memref_squeeze %dma_start3A_133 : memref<1x16x1024xf32, #tpu.memory_space<vmem>> -> memref<16x1024xf32, #tpu.memory_space<vmem>>
    %dma_start3A_135 = arith.constant 0 : i32
    %dma_start3A_136 = tpu.memref_slice %arg5[%add3A_129, %dma_start3A_135] : memref<4097x1024xf32, #tpu.memory_space<hbm>> -> memref<16x1024xf32, #tpu.memory_space<hbm>>
    %dma_start3A_137 = arith.constant 0 : i32
    %dma_start3A_138 = tpu.memref_slice %arg5[%add3A_129, %dma_start3A_137] : memref<4097x1024xf32, #tpu.memory_space<hbm>> -> memref<16x1024xf32, #tpu.memory_space<hbm>>
    %dma_start3A_139 = arith.constant 0 : i32
    %dma_start3A_140 = arith.constant 0 : i32
    %dma_start3A_141 = tpu.memref_slice %arg11[%dma_start3A_130, %dma_start3A_139, %dma_start3A_140] : memref<6x16x1024xf32, #tpu.memory_space<vmem>> -> memref<1x16x1024xf32, #tpu.memory_space<vmem>>
    %dma_start3A_142 = tpu.memref_squeeze %dma_start3A_141 : memref<1x16x1024xf32, #tpu.memory_space<vmem>> -> memref<16x1024xf32, #tpu.memory_space<vmem>>
    tpu.enqueue_dma source(%dma_start3A_142 : memref<16x1024xf32, #tpu.memory_space<vmem>>) target(%dma_start3A_138 : memref<16x1024xf32, #tpu.memory_space<hbm>>) target_semaphore(%arg19 : memref<!tpu.dma_semaphore, #tpu.memory_space<semaphore_mem>>)
    %add3A_143 = arith.constant 16 : i32
    %add3A_144 = arith.addi %multiple_of3A, %add3A_143 : i32
    %dma_wait3A_145 = arith.constant 1 : i32
    %dma_wait3A_146 = arith.constant 0 : i32
    %dma_wait3A_147 = arith.constant 0 : i32
    %dma_wait3A_148 = tpu.memref_slice %arg11[%dma_wait3A_145, %dma_wait3A_146, %dma_wait3A_147] : memref<6x16x1024xf32, #tpu.memory_space<vmem>> -> memref<1x16x1024xf32, #tpu.memory_space<vmem>>
    %dma_wait3A_149 = tpu.memref_squeeze %dma_wait3A_148 : memref<1x16x1024xf32, #tpu.memory_space<vmem>> -> memref<16x1024xf32, #tpu.memory_space<vmem>>
    %dma_wait3A_150 = arith.constant 0 : i32
    %dma_wait3A_151 = tpu.memref_slice %arg5[%add3A_144, %dma_wait3A_150] : memref<4097x1024xf32, #tpu.memory_space<hbm>> -> memref<16x1024xf32, #tpu.memory_space<hbm>>
    %dma_wait3A_152 = arith.constant 0 : i32
    %dma_wait3A_153 = tpu.memref_slice %arg5[%add3A_144, %dma_wait3A_152] : memref<4097x1024xf32, #tpu.memory_space<hbm>> -> memref<16x1024xf32, #tpu.memory_space<hbm>>
    %dma_wait3A_154 = arith.constant 0 : i32
    %dma_wait3A_155 = arith.constant 0 : i32
    %dma_wait3A_156 = tpu.memref_slice %arg11[%dma_wait3A_145, %dma_wait3A_154, %dma_wait3A_155] : memref<6x16x1024xf32, #tpu.memory_space<vmem>> -> memref<1x16x1024xf32, #tpu.memory_space<vmem>>
    %dma_wait3A_157 = tpu.memref_squeeze %dma_wait3A_156 : memref<1x16x1024xf32, #tpu.memory_space<vmem>> -> memref<16x1024xf32, #tpu.memory_space<vmem>>
    tpu.wait_dma2 semaphore(%arg19 : memref<!tpu.dma_semaphore, #tpu.memory_space<semaphore_mem>>) src(%dma_wait3A_157 : memref<16x1024xf32, #tpu.memory_space<vmem>>) dst(%dma_wait3A_153 : memref<16x1024xf32, #tpu.memory_space<hbm>>)
    %dma_start3A_158 = arith.constant 1 : i32
    %dma_start3A_159 = arith.constant 0 : i32
    %dma_start3A_160 = arith.constant 0 : i32
    %dma_start3A_161 = tpu.memref_slice %arg11[%dma_start3A_158, %dma_start3A_159, %dma_start3A_160] : memref<6x16x1024xf32, #tpu.memory_space<vmem>> -> memref<1x16x1024xf32, #tpu.memory_space<vmem>>
    %dma_start3A_162 = tpu.memref_squeeze %dma_start3A_161 : memref<1x16x1024xf32, #tpu.memory_space<vmem>> -> memref<16x1024xf32, #tpu.memory_space<vmem>>
    %dma_start3A_163 = arith.constant 112 : i32
    %dma_start3A_164 = tpu.memref_slice %arg7[%dma_start3A_163] : memref<128xi32, #tpu.memory_space<vmem>> -> memref<16xi32, #tpu.memory_space<vmem>>
    %dma_start3A_165 = arith.constant 0 : i32
    %dma_start3A_166 = arith.constant 0 : i32
    %dma_start3A_167 = tpu.memref_slice %arg2[%dma_start3A_165, %dma_start3A_166] : memref<8192x1024xf32, #tpu.memory_space<hbm>> -> memref<8192x1024xf32, #tpu.memory_space<hbm>>
    tpu.enqueue_indirect_dma source(%dma_start3A_167 : memref<8192x1024xf32, #tpu.memory_space<hbm>>) target(%dma_start3A_162 : memref<16x1024xf32, #tpu.memory_space<vmem>>) offsets(%dma_start3A_164 : memref<16xi32, #tpu.memory_space<vmem>>) semaphore(%arg13 : memref<!tpu.dma_semaphore, #tpu.memory_space<semaphore_mem>>)
    %dma_wait3A_168 = arith.constant 2 : i32
    %dma_wait3A_169 = arith.constant 0 : i32
    %dma_wait3A_170 = arith.constant 0 : i32
    %dma_wait3A_171 = tpu.memref_slice %arg11[%dma_wait3A_168, %dma_wait3A_169, %dma_wait3A_170] : memref<6x16x1024xf32, #tpu.memory_space<vmem>> -> memref<1x16x1024xf32, #tpu.memory_space<vmem>>
    %dma_wait3A_172 = tpu.memref_squeeze %dma_wait3A_171 : memref<1x16x1024xf32, #tpu.memory_space<vmem>> -> memref<16x1024xf32, #tpu.memory_space<vmem>>
    %dma_wait3A_173 = arith.constant 32 : i32
    %dma_wait3A_174 = tpu.memref_slice %arg7[%dma_wait3A_173] : memref<128xi32, #tpu.memory_space<vmem>> -> memref<16xi32, #tpu.memory_space<vmem>>
    %dma_wait3A_175 = arith.constant 0 : i32
    %dma_wait3A_176 = arith.constant 0 : i32
    %dma_wait3A_177 = tpu.memref_slice %arg2[%dma_wait3A_175, %dma_wait3A_176] : memref<8192x1024xf32, #tpu.memory_space<hbm>> -> memref<8192x1024xf32, #tpu.memory_space<hbm>>
    tpu.wait_indirect_dma semaphore(%arg14 : memref<!tpu.dma_semaphore, #tpu.memory_space<semaphore_mem>>) src(%dma_wait3A_177 : memref<8192x1024xf32, #tpu.memory_space<hbm>>) dst(%dma_wait3A_172 : memref<16x1024xf32, #tpu.memory_space<vmem>>)
    %add3A_178 = arith.constant 32 : i32
    %add3A_179 = arith.addi %multiple_of3A, %add3A_178 : i32
    %dma_start3A_180 = arith.constant 2 : i32
    %dma_start3A_181 = arith.constant 0 : i32
    %dma_start3A_182 = arith.constant 0 : i32
    %dma_start3A_183 = tpu.memref_slice %arg11[%dma_start3A_180, %dma_start3A_181, %dma_start3A_182] : memref<6x16x1024xf32, #tpu.memory_space<vmem>> -> memref<1x16x1024xf32, #tpu.memory_space<vmem>>
    %dma_start3A_184 = tpu.memref_squeeze %dma_start3A_183 : memref<1x16x1024xf32, #tpu.memory_space<vmem>> -> memref<16x1024xf32, #tpu.memory_space<vmem>>
    %dma_start3A_185 = arith.constant 0 : i32
    %dma_start3A_186 = tpu.memref_slice %arg5[%add3A_179, %dma_start3A_185] : memref<4097x1024xf32, #tpu.memory_space<hbm>> -> memref<16x1024xf32, #tpu.memory_space<hbm>>
    %dma_start3A_187 = arith.constant 0 : i32
    %dma_start3A_188 = tpu.memref_slice %arg5[%add3A_179, %dma_start3A_187] : memref<4097x1024xf32, #tpu.memory_space<hbm>> -> memref<16x1024xf32, #tpu.memory_space<hbm>>
    %dma_start3A_189 = arith.constant 0 : i32
    %dma_start3A_190 = arith.constant 0 : i32
    %dma_start3A_191 = tpu.memref_slice %arg11[%dma_start3A_180, %dma_start3A_189, %dma_start3A_190] : memref<6x16x1024xf32, #tpu.memory_space<vmem>> -> memref<1x16x1024xf32, #tpu.memory_space<vmem>>
    %dma_start3A_192 = tpu.memref_squeeze %dma_start3A_191 : memref<1x16x1024xf32, #tpu.memory_space<vmem>> -> memref<16x1024xf32, #tpu.memory_space<vmem>>
    tpu.enqueue_dma source(%dma_start3A_192 : memref<16x1024xf32, #tpu.memory_space<vmem>>) target(%dma_start3A_188 : memref<16x1024xf32, #tpu.memory_space<hbm>>) target_semaphore(%arg20 : memref<!tpu.dma_semaphore, #tpu.memory_space<semaphore_mem>>)
    %dma_wait3A_193 = arith.constant 3 : i32
    %dma_wait3A_194 = arith.constant 0 : i32
    %dma_wait3A_195 = arith.constant 0 : i32
    %dma_wait3A_196 = tpu.memref_slice %arg11[%dma_wait3A_193, %dma_wait3A_194, %dma_wait3A_195] : memref<6x16x1024xf32, #tpu.memory_space<vmem>> -> memref<1x16x1024xf32, #tpu.memory_space<vmem>>
    %dma_wait3A_197 = tpu.memref_squeeze %dma_wait3A_196 : memref<1x16x1024xf32, #tpu.memory_space<vmem>> -> memref<16x1024xf32, #tpu.memory_space<vmem>>
    %dma_wait3A_198 = arith.constant 48 : i32
    %dma_wait3A_199 = tpu.memref_slice %arg7[%dma_wait3A_198] : memref<128xi32, #tpu.memory_space<vmem>> -> memref<16xi32, #tpu.memory_space<vmem>>
    %dma_wait3A_200 = arith.constant 0 : i32
    %dma_wait3A_201 = arith.constant 0 : i32
    %dma_wait3A_202 = tpu.memref_slice %arg2[%dma_wait3A_200, %dma_wait3A_201] : memref<8192x1024xf32, #tpu.memory_space<hbm>> -> memref<8192x1024xf32, #tpu.memory_space<hbm>>
    tpu.wait_indirect_dma semaphore(%arg15 : memref<!tpu.dma_semaphore, #tpu.memory_space<semaphore_mem>>) src(%dma_wait3A_202 : memref<8192x1024xf32, #tpu.memory_space<hbm>>) dst(%dma_wait3A_197 : memref<16x1024xf32, #tpu.memory_space<vmem>>)
    %add3A_203 = arith.constant 48 : i32
    %add3A_204 = arith.addi %multiple_of3A, %add3A_203 : i32
    %dma_start3A_205 = arith.constant 3 : i32
    %dma_start3A_206 = arith.constant 0 : i32
    %dma_start3A_207 = arith.constant 0 : i32
    %dma_start3A_208 = tpu.memref_slice %arg11[%dma_start3A_205, %dma_start3A_206, %dma_start3A_207] : memref<6x16x1024xf32, #tpu.memory_space<vmem>> -> memref<1x16x1024xf32, #tpu.memory_space<vmem>>
    %dma_start3A_209 = tpu.memref_squeeze %dma_start3A_208 : memref<1x16x1024xf32, #tpu.memory_space<vmem>> -> memref<16x1024xf32, #tpu.memory_space<vmem>>
    %dma_start3A_210 = arith.constant 0 : i32
    %dma_start3A_211 = tpu.memref_slice %arg5[%add3A_204, %dma_start3A_210] : memref<4097x1024xf32, #tpu.memory_space<hbm>> -> memref<16x1024xf32, #tpu.memory_space<hbm>>
    %dma_start3A_212 = arith.constant 0 : i32
    %dma_start3A_213 = tpu.memref_slice %arg5[%add3A_204, %dma_start3A_212] : memref<4097x1024xf32, #tpu.memory_space<hbm>> -> memref<16x1024xf32, #tpu.memory_space<hbm>>
    %dma_start3A_214 = arith.constant 0 : i32
    %dma_start3A_215 = arith.constant 0 : i32
    %dma_start3A_216 = tpu.memref_slice %arg11[%dma_start3A_205, %dma_start3A_214, %dma_start3A_215] : memref<6x16x1024xf32, #tpu.memory_space<vmem>> -> memref<1x16x1024xf32, #tpu.memory_space<vmem>>
    %dma_start3A_217 = tpu.memref_squeeze %dma_start3A_216 : memref<1x16x1024xf32, #tpu.memory_space<vmem>> -> memref<16x1024xf32, #tpu.memory_space<vmem>>
    tpu.enqueue_dma source(%dma_start3A_217 : memref<16x1024xf32, #tpu.memory_space<vmem>>) target(%dma_start3A_213 : memref<16x1024xf32, #tpu.memory_space<hbm>>) target_semaphore(%arg21 : memref<!tpu.dma_semaphore, #tpu.memory_space<semaphore_mem>>)
    %dma_wait3A_218 = arith.constant 4 : i32
    %dma_wait3A_219 = arith.constant 0 : i32
    %dma_wait3A_220 = arith.constant 0 : i32
    %dma_wait3A_221 = tpu.memref_slice %arg11[%dma_wait3A_218, %dma_wait3A_219, %dma_wait3A_220] : memref<6x16x1024xf32, #tpu.memory_space<vmem>> -> memref<1x16x1024xf32, #tpu.memory_space<vmem>>
    %dma_wait3A_222 = tpu.memref_squeeze %dma_wait3A_221 : memref<1x16x1024xf32, #tpu.memory_space<vmem>> -> memref<16x1024xf32, #tpu.memory_space<vmem>>
    %dma_wait3A_223 = arith.constant 64 : i32
    %dma_wait3A_224 = tpu.memref_slice %arg7[%dma_wait3A_223] : memref<128xi32, #tpu.memory_space<vmem>> -> memref<16xi32, #tpu.memory_space<vmem>>
    %dma_wait3A_225 = arith.constant 0 : i32
    %dma_wait3A_226 = arith.constant 0 : i32
    %dma_wait3A_227 = tpu.memref_slice %arg2[%dma_wait3A_225, %dma_wait3A_226] : memref<8192x1024xf32, #tpu.memory_space<hbm>> -> memref<8192x1024xf32, #tpu.memory_space<hbm>>
    tpu.wait_indirect_dma semaphore(%arg16 : memref<!tpu.dma_semaphore, #tpu.memory_space<semaphore_mem>>) src(%dma_wait3A_227 : memref<8192x1024xf32, #tpu.memory_space<hbm>>) dst(%dma_wait3A_222 : memref<16x1024xf32, #tpu.memory_space<vmem>>)
    %add3A_228 = arith.constant 64 : i32
    %add3A_229 = arith.addi %multiple_of3A, %add3A_228 : i32
    %dma_start3A_230 = arith.constant 4 : i32
    %dma_start3A_231 = arith.constant 0 : i32
    %dma_start3A_232 = arith.constant 0 : i32
    %dma_start3A_233 = tpu.memref_slice %arg11[%dma_start3A_230, %dma_start3A_231, %dma_start3A_232] : memref<6x16x1024xf32, #tpu.memory_space<vmem>> -> memref<1x16x1024xf32, #tpu.memory_space<vmem>>
    %dma_start3A_234 = tpu.memref_squeeze %dma_start3A_233 : memref<1x16x1024xf32, #tpu.memory_space<vmem>> -> memref<16x1024xf32, #tpu.memory_space<vmem>>
    %dma_start3A_235 = arith.constant 0 : i32
    %dma_start3A_236 = tpu.memref_slice %arg5[%add3A_229, %dma_start3A_235] : memref<4097x1024xf32, #tpu.memory_space<hbm>> -> memref<16x1024xf32, #tpu.memory_space<hbm>>
    %dma_start3A_237 = arith.constant 0 : i32
    %dma_start3A_238 = tpu.memref_slice %arg5[%add3A_229, %dma_start3A_237] : memref<4097x1024xf32, #tpu.memory_space<hbm>> -> memref<16x1024xf32, #tpu.memory_space<hbm>>
    %dma_start3A_239 = arith.constant 0 : i32
    %dma_start3A_240 = arith.constant 0 : i32
    %dma_start3A_241 = tpu.memref_slice %arg11[%dma_start3A_230, %dma_start3A_239, %dma_start3A_240] : memref<6x16x1024xf32, #tpu.memory_space<vmem>> -> memref<1x16x1024xf32, #tpu.memory_space<vmem>>
    %dma_start3A_242 = tpu.memref_squeeze %dma_start3A_241 : memref<1x16x1024xf32, #tpu.memory_space<vmem>> -> memref<16x1024xf32, #tpu.memory_space<vmem>>
    tpu.enqueue_dma source(%dma_start3A_242 : memref<16x1024xf32, #tpu.memory_space<vmem>>) target(%dma_start3A_238 : memref<16x1024xf32, #tpu.memory_space<hbm>>) target_semaphore(%arg22 : memref<!tpu.dma_semaphore, #tpu.memory_space<semaphore_mem>>)
    %dma_wait3A_243 = arith.constant 5 : i32
    %dma_wait3A_244 = arith.constant 0 : i32
    %dma_wait3A_245 = arith.constant 0 : i32
    %dma_wait3A_246 = tpu.memref_slice %arg11[%dma_wait3A_243, %dma_wait3A_244, %dma_wait3A_245] : memref<6x16x1024xf32, #tpu.memory_space<vmem>> -> memref<1x16x1024xf32, #tpu.memory_space<vmem>>
    %dma_wait3A_247 = tpu.memref_squeeze %dma_wait3A_246 : memref<1x16x1024xf32, #tpu.memory_space<vmem>> -> memref<16x1024xf32, #tpu.memory_space<vmem>>
    %dma_wait3A_248 = arith.constant 80 : i32
    %dma_wait3A_249 = tpu.memref_slice %arg7[%dma_wait3A_248] : memref<128xi32, #tpu.memory_space<vmem>> -> memref<16xi32, #tpu.memory_space<vmem>>
    %dma_wait3A_250 = arith.constant 0 : i32
    %dma_wait3A_251 = arith.constant 0 : i32
    %dma_wait3A_252 = tpu.memref_slice %arg2[%dma_wait3A_250, %dma_wait3A_251] : memref<8192x1024xf32, #tpu.memory_space<hbm>> -> memref<8192x1024xf32, #tpu.memory_space<hbm>>
    tpu.wait_indirect_dma semaphore(%arg17 : memref<!tpu.dma_semaphore, #tpu.memory_space<semaphore_mem>>) src(%dma_wait3A_252 : memref<8192x1024xf32, #tpu.memory_space<hbm>>) dst(%dma_wait3A_247 : memref<16x1024xf32, #tpu.memory_space<vmem>>)
    %add3A_253 = arith.constant 80 : i32
    %add3A_254 = arith.addi %multiple_of3A, %add3A_253 : i32
    %dma_start3A_255 = arith.constant 5 : i32
    %dma_start3A_256 = arith.constant 0 : i32
    %dma_start3A_257 = arith.constant 0 : i32
    %dma_start3A_258 = tpu.memref_slice %arg11[%dma_start3A_255, %dma_start3A_256, %dma_start3A_257] : memref<6x16x1024xf32, #tpu.memory_space<vmem>> -> memref<1x16x1024xf32, #tpu.memory_space<vmem>>
    %dma_start3A_259 = tpu.memref_squeeze %dma_start3A_258 : memref<1x16x1024xf32, #tpu.memory_space<vmem>> -> memref<16x1024xf32, #tpu.memory_space<vmem>>
    %dma_start3A_260 = arith.constant 0 : i32
    %dma_start3A_261 = tpu.memref_slice %arg5[%add3A_254, %dma_start3A_260] : memref<4097x1024xf32, #tpu.memory_space<hbm>> -> memref<16x1024xf32, #tpu.memory_space<hbm>>
    %dma_start3A_262 = arith.constant 0 : i32
    %dma_start3A_263 = tpu.memref_slice %arg5[%add3A_254, %dma_start3A_262] : memref<4097x1024xf32, #tpu.memory_space<hbm>> -> memref<16x1024xf32, #tpu.memory_space<hbm>>
    %dma_start3A_264 = arith.constant 0 : i32
    %dma_start3A_265 = arith.constant 0 : i32
    %dma_start3A_266 = tpu.memref_slice %arg11[%dma_start3A_255, %dma_start3A_264, %dma_start3A_265] : memref<6x16x1024xf32, #tpu.memory_space<vmem>> -> memref<1x16x1024xf32, #tpu.memory_space<vmem>>
    %dma_start3A_267 = tpu.memref_squeeze %dma_start3A_266 : memref<1x16x1024xf32, #tpu.memory_space<vmem>> -> memref<16x1024xf32, #tpu.memory_space<vmem>>
    tpu.enqueue_dma source(%dma_start3A_267 : memref<16x1024xf32, #tpu.memory_space<vmem>>) target(%dma_start3A_263 : memref<16x1024xf32, #tpu.memory_space<hbm>>) target_semaphore(%arg23 : memref<!tpu.dma_semaphore, #tpu.memory_space<semaphore_mem>>)
    %dma_wait3A_268 = arith.constant 0 : i32
    %dma_wait3A_269 = arith.constant 0 : i32
    %dma_wait3A_270 = arith.constant 0 : i32
    %dma_wait3A_271 = tpu.memref_slice %arg11[%dma_wait3A_268, %dma_wait3A_269, %dma_wait3A_270] : memref<6x16x1024xf32, #tpu.memory_space<vmem>> -> memref<1x16x1024xf32, #tpu.memory_space<vmem>>
    %dma_wait3A_272 = tpu.memref_squeeze %dma_wait3A_271 : memref<1x16x1024xf32, #tpu.memory_space<vmem>> -> memref<16x1024xf32, #tpu.memory_space<vmem>>
    %dma_wait3A_273 = arith.constant 96 : i32
    %dma_wait3A_274 = tpu.memref_slice %arg7[%dma_wait3A_273] : memref<128xi32, #tpu.memory_space<vmem>> -> memref<16xi32, #tpu.memory_space<vmem>>
    %dma_wait3A_275 = arith.constant 0 : i32
    %dma_wait3A_276 = arith.constant 0 : i32
    %dma_wait3A_277 = tpu.memref_slice %arg2[%dma_wait3A_275, %dma_wait3A_276] : memref<8192x1024xf32, #tpu.memory_space<hbm>> -> memref<8192x1024xf32, #tpu.memory_space<hbm>>
    tpu.wait_indirect_dma semaphore(%arg12 : memref<!tpu.dma_semaphore, #tpu.memory_space<semaphore_mem>>) src(%dma_wait3A_277 : memref<8192x1024xf32, #tpu.memory_space<hbm>>) dst(%dma_wait3A_272 : memref<16x1024xf32, #tpu.memory_space<vmem>>)
    %add3A_278 = arith.constant 96 : i32
    %add3A_279 = arith.addi %multiple_of3A, %add3A_278 : i32
    %dma_start3A_280 = arith.constant 0 : i32
    %dma_start3A_281 = arith.constant 0 : i32
    %dma_start3A_282 = arith.constant 0 : i32
    %dma_start3A_283 = tpu.memref_slice %arg11[%dma_start3A_280, %dma_start3A_281, %dma_start3A_282] : memref<6x16x1024xf32, #tpu.memory_space<vmem>> -> memref<1x16x1024xf32, #tpu.memory_space<vmem>>
    %dma_start3A_284 = tpu.memref_squeeze %dma_start3A_283 : memref<1x16x1024xf32, #tpu.memory_space<vmem>> -> memref<16x1024xf32, #tpu.memory_space<vmem>>
    %dma_start3A_285 = arith.constant 0 : i32
    %dma_start3A_286 = tpu.memref_slice %arg5[%add3A_279, %dma_start3A_285] : memref<4097x1024xf32, #tpu.memory_space<hbm>> -> memref<16x1024xf32, #tpu.memory_space<hbm>>
    %dma_start3A_287 = arith.constant 0 : i32
    %dma_start3A_288 = tpu.memref_slice %arg5[%add3A_279, %dma_start3A_287] : memref<4097x1024xf32, #tpu.memory_space<hbm>> -> memref<16x1024xf32, #tpu.memory_space<hbm>>
    %dma_start3A_289 = arith.constant 0 : i32
    %dma_start3A_290 = arith.constant 0 : i32
    %dma_start3A_291 = tpu.memref_slice %arg11[%dma_start3A_280, %dma_start3A_289, %dma_start3A_290] : memref<6x16x1024xf32, #tpu.memory_space<vmem>> -> memref<1x16x1024xf32, #tpu.memory_space<vmem>>
    %dma_start3A_292 = tpu.memref_squeeze %dma_start3A_291 : memref<1x16x1024xf32, #tpu.memory_space<vmem>> -> memref<16x1024xf32, #tpu.memory_space<vmem>>
    tpu.enqueue_dma source(%dma_start3A_292 : memref<16x1024xf32, #tpu.memory_space<vmem>>) target(%dma_start3A_288 : memref<16x1024xf32, #tpu.memory_space<hbm>>) target_semaphore(%arg18 : memref<!tpu.dma_semaphore, #tpu.memory_space<semaphore_mem>>)
    %dma_wait3A_293 = arith.constant 1 : i32
    %dma_wait3A_294 = arith.constant 0 : i32
    %dma_wait3A_295 = arith.constant 0 : i32
    %dma_wait3A_296 = tpu.memref_slice %arg11[%dma_wait3A_293, %dma_wait3A_294, %dma_wait3A_295] : memref<6x16x1024xf32, #tpu.memory_space<vmem>> -> memref<1x16x1024xf32, #tpu.memory_space<vmem>>
    %dma_wait3A_297 = tpu.memref_squeeze %dma_wait3A_296 : memref<1x16x1024xf32, #tpu.memory_space<vmem>> -> memref<16x1024xf32, #tpu.memory_space<vmem>>
    %dma_wait3A_298 = arith.constant 112 : i32
    %dma_wait3A_299 = tpu.memref_slice %arg7[%dma_wait3A_298] : memref<128xi32, #tpu.memory_space<vmem>> -> memref<16xi32, #tpu.memory_space<vmem>>
    %dma_wait3A_300 = arith.constant 0 : i32
    %dma_wait3A_301 = arith.constant 0 : i32
    %dma_wait3A_302 = tpu.memref_slice %arg2[%dma_wait3A_300, %dma_wait3A_301] : memref<8192x1024xf32, #tpu.memory_space<hbm>> -> memref<8192x1024xf32, #tpu.memory_space<hbm>>
    tpu.wait_indirect_dma semaphore(%arg13 : memref<!tpu.dma_semaphore, #tpu.memory_space<semaphore_mem>>) src(%dma_wait3A_302 : memref<8192x1024xf32, #tpu.memory_space<hbm>>) dst(%dma_wait3A_297 : memref<16x1024xf32, #tpu.memory_space<vmem>>)
    %add3A_303 = arith.constant 112 : i32
    %add3A_304 = arith.addi %multiple_of3A, %add3A_303 : i32
    %dma_start3A_305 = arith.constant 1 : i32
    %dma_start3A_306 = arith.constant 0 : i32
    %dma_start3A_307 = arith.constant 0 : i32
    %dma_start3A_308 = tpu.memref_slice %arg11[%dma_start3A_305, %dma_start3A_306, %dma_start3A_307] : memref<6x16x1024xf32, #tpu.memory_space<vmem>> -> memref<1x16x1024xf32, #tpu.memory_space<vmem>>
    %dma_start3A_309 = tpu.memref_squeeze %dma_start3A_308 : memref<1x16x1024xf32, #tpu.memory_space<vmem>> -> memref<16x1024xf32, #tpu.memory_space<vmem>>
    %dma_start3A_310 = arith.constant 0 : i32
    %dma_start3A_311 = tpu.memref_slice %arg5[%add3A_304, %dma_start3A_310] : memref<4097x1024xf32, #tpu.memory_space<hbm>> -> memref<16x1024xf32, #tpu.memory_space<hbm>>
    %dma_start3A_312 = arith.constant 0 : i32
    %dma_start3A_313 = tpu.memref_slice %arg5[%add3A_304, %dma_start3A_312] : memref<4097x1024xf32, #tpu.memory_space<hbm>> -> memref<16x1024xf32, #tpu.memory_space<hbm>>
    %dma_start3A_314 = arith.constant 0 : i32
    %dma_start3A_315 = arith.constant 0 : i32
    %dma_start3A_316 = tpu.memref_slice %arg11[%dma_start3A_305, %dma_start3A_314, %dma_start3A_315] : memref<6x16x1024xf32, #tpu.memory_space<vmem>> -> memref<1x16x1024xf32, #tpu.memory_space<vmem>>
    %dma_start3A_317 = tpu.memref_squeeze %dma_start3A_316 : memref<1x16x1024xf32, #tpu.memory_space<vmem>> -> memref<16x1024xf32, #tpu.memory_space<vmem>>
    tpu.enqueue_dma source(%dma_start3A_317 : memref<16x1024xf32, #tpu.memory_space<vmem>>) target(%dma_start3A_313 : memref<16x1024xf32, #tpu.memory_space<hbm>>) target_semaphore(%arg19 : memref<!tpu.dma_semaphore, #tpu.memory_space<semaphore_mem>>)
    %add3A_318 = arith.constant 32 : i32
    %add3A_319 = arith.addi %multiple_of3A, %add3A_318 : i32
    %dma_wait3A_320 = arith.constant 2 : i32
    %dma_wait3A_321 = arith.constant 0 : i32
    %dma_wait3A_322 = arith.constant 0 : i32
    %dma_wait3A_323 = tpu.memref_slice %arg11[%dma_wait3A_320, %dma_wait3A_321, %dma_wait3A_322] : memref<6x16x1024xf32, #tpu.memory_space<vmem>> -> memref<1x16x1024xf32, #tpu.memory_space<vmem>>
    %dma_wait3A_324 = tpu.memref_squeeze %dma_wait3A_323 : memref<1x16x1024xf32, #tpu.memory_space<vmem>> -> memref<16x1024xf32, #tpu.memory_space<vmem>>
    %dma_wait3A_325 = arith.constant 0 : i32
    %dma_wait3A_326 = tpu.memref_slice %arg5[%add3A_319, %dma_wait3A_325] : memref<4097x1024xf32, #tpu.memory_space<hbm>> -> memref<16x1024xf32, #tpu.memory_space<hbm>>
    %dma_wait3A_327 = arith.constant 0 : i32
    %dma_wait3A_328 = tpu.memref_slice %arg5[%add3A_319, %dma_wait3A_327] : memref<4097x1024xf32, #tpu.memory_space<hbm>> -> memref<16x1024xf32, #tpu.memory_space<hbm>>
    %dma_wait3A_329 = arith.constant 0 : i32
    %dma_wait3A_330 = arith.constant 0 : i32
    %dma_wait3A_331 = tpu.memref_slice %arg11[%dma_wait3A_320, %dma_wait3A_329, %dma_wait3A_330] : memref<6x16x1024xf32, #tpu.memory_space<vmem>> -> memref<1x16x1024xf32, #tpu.memory_space<vmem>>
    %dma_wait3A_332 = tpu.memref_squeeze %dma_wait3A_331 : memref<1x16x1024xf32, #tpu.memory_space<vmem>> -> memref<16x1024xf32, #tpu.memory_space<vmem>>
    tpu.wait_dma2 semaphore(%arg20 : memref<!tpu.dma_semaphore, #tpu.memory_space<semaphore_mem>>) src(%dma_wait3A_332 : memref<16x1024xf32, #tpu.memory_space<vmem>>) dst(%dma_wait3A_328 : memref<16x1024xf32, #tpu.memory_space<hbm>>)
    %add3A_333 = arith.constant 48 : i32
    %add3A_334 = arith.addi %multiple_of3A, %add3A_333 : i32
    %dma_wait3A_335 = arith.constant 3 : i32
    %dma_wait3A_336 = arith.constant 0 : i32
    %dma_wait3A_337 = arith.constant 0 : i32
    %dma_wait3A_338 = tpu.memref_slice %arg11[%dma_wait3A_335, %dma_wait3A_336, %dma_wait3A_337] : memref<6x16x1024xf32, #tpu.memory_space<vmem>> -> memref<1x16x1024xf32, #tpu.memory_space<vmem>>
    %dma_wait3A_339 = tpu.memref_squeeze %dma_wait3A_338 : memref<1x16x1024xf32, #tpu.memory_space<vmem>> -> memref<16x1024xf32, #tpu.memory_space<vmem>>
    %dma_wait3A_340 = arith.constant 0 : i32
    %dma_wait3A_341 = tpu.memref_slice %arg5[%add3A_334, %dma_wait3A_340] : memref<4097x1024xf32, #tpu.memory_space<hbm>> -> memref<16x1024xf32, #tpu.memory_space<hbm>>
    %dma_wait3A_342 = arith.constant 0 : i32
    %dma_wait3A_343 = tpu.memref_slice %arg5[%add3A_334, %dma_wait3A_342] : memref<4097x1024xf32, #tpu.memory_space<hbm>> -> memref<16x1024xf32, #tpu.memory_space<hbm>>
    %dma_wait3A_344 = arith.constant 0 : i32
    %dma_wait3A_345 = arith.constant 0 : i32
    %dma_wait3A_346 = tpu.memref_slice %arg11[%dma_wait3A_335, %dma_wait3A_344, %dma_wait3A_345] : memref<6x16x1024xf32, #tpu.memory_space<vmem>> -> memref<1x16x1024xf32, #tpu.memory_space<vmem>>
    %dma_wait3A_347 = tpu.memref_squeeze %dma_wait3A_346 : memref<1x16x1024xf32, #tpu.memory_space<vmem>> -> memref<16x1024xf32, #tpu.memory_space<vmem>>
    tpu.wait_dma2 semaphore(%arg21 : memref<!tpu.dma_semaphore, #tpu.memory_space<semaphore_mem>>) src(%dma_wait3A_347 : memref<16x1024xf32, #tpu.memory_space<vmem>>) dst(%dma_wait3A_343 : memref<16x1024xf32, #tpu.memory_space<hbm>>)
    %add3A_348 = arith.constant 64 : i32
    %add3A_349 = arith.addi %multiple_of3A, %add3A_348 : i32
    %dma_wait3A_350 = arith.constant 4 : i32
    %dma_wait3A_351 = arith.constant 0 : i32
    %dma_wait3A_352 = arith.constant 0 : i32
    %dma_wait3A_353 = tpu.memref_slice %arg11[%dma_wait3A_350, %dma_wait3A_351, %dma_wait3A_352] : memref<6x16x1024xf32, #tpu.memory_space<vmem>> -> memref<1x16x1024xf32, #tpu.memory_space<vmem>>
    %dma_wait3A_354 = tpu.memref_squeeze %dma_wait3A_353 : memref<1x16x1024xf32, #tpu.memory_space<vmem>> -> memref<16x1024xf32, #tpu.memory_space<vmem>>
    %dma_wait3A_355 = arith.constant 0 : i32
    %dma_wait3A_356 = tpu.memref_slice %arg5[%add3A_349, %dma_wait3A_355] : memref<4097x1024xf32, #tpu.memory_space<hbm>> -> memref<16x1024xf32, #tpu.memory_space<hbm>>
    %dma_wait3A_357 = arith.constant 0 : i32
    %dma_wait3A_358 = tpu.memref_slice %arg5[%add3A_349, %dma_wait3A_357] : memref<4097x1024xf32, #tpu.memory_space<hbm>> -> memref<16x1024xf32, #tpu.memory_space<hbm>>
    %dma_wait3A_359 = arith.constant 0 : i32
    %dma_wait3A_360 = arith.constant 0 : i32
    %dma_wait3A_361 = tpu.memref_slice %arg11[%dma_wait3A_350, %dma_wait3A_359, %dma_wait3A_360] : memref<6x16x1024xf32, #tpu.memory_space<vmem>> -> memref<1x16x1024xf32, #tpu.memory_space<vmem>>
    %dma_wait3A_362 = tpu.memref_squeeze %dma_wait3A_361 : memref<1x16x1024xf32, #tpu.memory_space<vmem>> -> memref<16x1024xf32, #tpu.memory_space<vmem>>
    tpu.wait_dma2 semaphore(%arg22 : memref<!tpu.dma_semaphore, #tpu.memory_space<semaphore_mem>>) src(%dma_wait3A_362 : memref<16x1024xf32, #tpu.memory_space<vmem>>) dst(%dma_wait3A_358 : memref<16x1024xf32, #tpu.memory_space<hbm>>)
    %add3A_363 = arith.constant 80 : i32
    %add3A_364 = arith.addi %multiple_of3A, %add3A_363 : i32
    %dma_wait3A_365 = arith.constant 5 : i32
    %dma_wait3A_366 = arith.constant 0 : i32
    %dma_wait3A_367 = arith.constant 0 : i32
    %dma_wait3A_368 = tpu.memref_slice %arg11[%dma_wait3A_365, %dma_wait3A_366, %dma_wait3A_367] : memref<6x16x1024xf32, #tpu.memory_space<vmem>> -> memref<1x16x1024xf32, #tpu.memory_space<vmem>>
    %dma_wait3A_369 = tpu.memref_squeeze %dma_wait3A_368 : memref<1x16x1024xf32, #tpu.memory_space<vmem>> -> memref<16x1024xf32, #tpu.memory_space<vmem>>
    %dma_wait3A_370 = arith.constant 0 : i32
    %dma_wait3A_371 = tpu.memref_slice %arg5[%add3A_364, %dma_wait3A_370] : memref<4097x1024xf32, #tpu.memory_space<hbm>> -> memref<16x1024xf32, #tpu.memory_space<hbm>>
    %dma_wait3A_372 = arith.constant 0 : i32
    %dma_wait3A_373 = tpu.memref_slice %arg5[%add3A_364, %dma_wait3A_372] : memref<4097x1024xf32, #tpu.memory_space<hbm>> -> memref<16x1024xf32, #tpu.memory_space<hbm>>
    %dma_wait3A_374 = arith.constant 0 : i32
    %dma_wait3A_375 = arith.constant 0 : i32
    %dma_wait3A_376 = tpu.memref_slice %arg11[%dma_wait3A_365, %dma_wait3A_374, %dma_wait3A_375] : memref<6x16x1024xf32, #tpu.memory_space<vmem>> -> memref<1x16x1024xf32, #tpu.memory_space<vmem>>
    %dma_wait3A_377 = tpu.memref_squeeze %dma_wait3A_376 : memref<1x16x1024xf32, #tpu.memory_space<vmem>> -> memref<16x1024xf32, #tpu.memory_space<vmem>>
    tpu.wait_dma2 semaphore(%arg23 : memref<!tpu.dma_semaphore, #tpu.memory_space<semaphore_mem>>) src(%dma_wait3A_377 : memref<16x1024xf32, #tpu.memory_space<vmem>>) dst(%dma_wait3A_373 : memref<16x1024xf32, #tpu.memory_space<hbm>>)
    %add3A_378 = arith.constant 96 : i32
    %add3A_379 = arith.addi %multiple_of3A, %add3A_378 : i32
    %dma_wait3A_380 = arith.constant 0 : i32
    %dma_wait3A_381 = arith.constant 0 : i32
    %dma_wait3A_382 = arith.constant 0 : i32
    %dma_wait3A_383 = tpu.memref_slice %arg11[%dma_wait3A_380, %dma_wait3A_381, %dma_wait3A_382] : memref<6x16x1024xf32, #tpu.memory_space<vmem>> -> memref<1x16x1024xf32, #tpu.memory_space<vmem>>
    %dma_wait3A_384 = tpu.memref_squeeze %dma_wait3A_383 : memref<1x16x1024xf32, #tpu.memory_space<vmem>> -> memref<16x1024xf32, #tpu.memory_space<vmem>>
    %dma_wait3A_385 = arith.constant 0 : i32
    %dma_wait3A_386 = tpu.memref_slice %arg5[%add3A_379, %dma_wait3A_385] : memref<4097x1024xf32, #tpu.memory_space<hbm>> -> memref<16x1024xf32, #tpu.memory_space<hbm>>
    %dma_wait3A_387 = arith.constant 0 : i32
    %dma_wait3A_388 = tpu.memref_slice %arg5[%add3A_379, %dma_wait3A_387] : memref<4097x1024xf32, #tpu.memory_space<hbm>> -> memref<16x1024xf32, #tpu.memory_space<hbm>>
    %dma_wait3A_389 = arith.constant 0 : i32
    %dma_wait3A_390 = arith.constant 0 : i32
    %dma_wait3A_391 = tpu.memref_slice %arg11[%dma_wait3A_380, %dma_wait3A_389, %dma_wait3A_390] : memref<6x16x1024xf32, #tpu.memory_space<vmem>> -> memref<1x16x1024xf32, #tpu.memory_space<vmem>>
    %dma_wait3A_392 = tpu.memref_squeeze %dma_wait3A_391 : memref<1x16x1024xf32, #tpu.memory_space<vmem>> -> memref<16x1024xf32, #tpu.memory_space<vmem>>
    tpu.wait_dma2 semaphore(%arg18 : memref<!tpu.dma_semaphore, #tpu.memory_space<semaphore_mem>>) src(%dma_wait3A_392 : memref<16x1024xf32, #tpu.memory_space<vmem>>) dst(%dma_wait3A_388 : memref<16x1024xf32, #tpu.memory_space<hbm>>)
    %add3A_393 = arith.constant 112 : i32
    %add3A_394 = arith.addi %multiple_of3A, %add3A_393 : i32
    %dma_wait3A_395 = arith.constant 1 : i32
    %dma_wait3A_396 = arith.constant 0 : i32
    %dma_wait3A_397 = arith.constant 0 : i32
    %dma_wait3A_398 = tpu.memref_slice %arg11[%dma_wait3A_395, %dma_wait3A_396, %dma_wait3A_397] : memref<6x16x1024xf32, #tpu.memory_space<vmem>> -> memref<1x16x1024xf32, #tpu.memory_space<vmem>>
    %dma_wait3A_399 = tpu.memref_squeeze %dma_wait3A_398 : memref<1x16x1024xf32, #tpu.memory_space<vmem>> -> memref<16x1024xf32, #tpu.memory_space<vmem>>
    %dma_wait3A_400 = arith.constant 0 : i32
    %dma_wait3A_401 = tpu.memref_slice %arg5[%add3A_394, %dma_wait3A_400] : memref<4097x1024xf32, #tpu.memory_space<hbm>> -> memref<16x1024xf32, #tpu.memory_space<hbm>>
    %dma_wait3A_402 = arith.constant 0 : i32
    %dma_wait3A_403 = tpu.memref_slice %arg5[%add3A_394, %dma_wait3A_402] : memref<4097x1024xf32, #tpu.memory_space<hbm>> -> memref<16x1024xf32, #tpu.memory_space<hbm>>
    %dma_wait3A_404 = arith.constant 0 : i32
    %dma_wait3A_405 = arith.constant 0 : i32
    %dma_wait3A_406 = tpu.memref_slice %arg11[%dma_wait3A_395, %dma_wait3A_404, %dma_wait3A_405] : memref<6x16x1024xf32, #tpu.memory_space<vmem>> -> memref<1x16x1024xf32, #tpu.memory_space<vmem>>
    %dma_wait3A_407 = tpu.memref_squeeze %dma_wait3A_406 : memref<1x16x1024xf32, #tpu.memory_space<vmem>> -> memref<16x1024xf32, #tpu.memory_space<vmem>>
    tpu.wait_dma2 semaphore(%arg19 : memref<!tpu.dma_semaphore, #tpu.memory_space<semaphore_mem>>) src(%dma_wait3A_407 : memref<16x1024xf32, #tpu.memory_space<vmem>>) dst(%dma_wait3A_403 : memref<16x1024xf32, #tpu.memory_space<hbm>>)
    %eq3A_408 = arith.constant 0 : i32
    %eq3A_409 = arith.cmpi eq, %add3A, %eq3A_408 : i32
    %convert_element_type3A_410 = arith.extui %eq3A_409 : i1 to i32
    %cond3A_411 = arith.constant 0 : i32
    %cond3A_412 = arith.cmpi ne, %convert_element_type3A_410, %cond3A_411 : i32
    scf.if %cond3A_412 {
      %dma_wait3A_418 = arith.constant 0 : i32
      %dma_wait3A_419 = tpu.memref_slice %arg7[%dma_wait3A_418] : memref<128xi32, #tpu.memory_space<vmem>> -> memref<8xi32, #tpu.memory_space<vmem>>
      %dma_wait3A_420 = arith.constant 0 : i32
      %dma_wait3A_421 = arith.constant 0 : i32
      %dma_wait3A_422 = tpu.memref_slice %arg3[%dma_wait3A_420, %dma_wait3A_421] : memref<1000x1024xf32, #tpu.memory_space<hbm>> -> memref<1000x1024xf32, #tpu.memory_space<hbm>>
      tpu.wait_indirect_dma semaphore(%arg24 : memref<!tpu.dma_semaphore, #tpu.memory_space<semaphore_mem>>) src(%dma_wait3A_422 : memref<1000x1024xf32, #tpu.memory_space<hbm>>) dst(%arg9 : memref<8x1024xf32, #tpu.memory_space<vmem>>)
      "tpu.region"() ({
        %run_scoped3A = tpu.sem_alloc : memref<!tpu.dma_semaphore, #tpu.memory_space<semaphore_mem>>
        %dma_start3A_423 = arith.constant 0 : i32
        %dma_start3A_424 = arith.constant 0 : i32
        %dma_start3A_425 = tpu.memref_slice %arg6[%dma_start3A_423, %dma_start3A_424] : memref<16x1024xf32, #tpu.memory_space<hbm>> -> memref<8x1024xf32, #tpu.memory_space<hbm>>
        %dma_start3A_426 = arith.constant 0 : i32
        %dma_start3A_427 = arith.constant 0 : i32
        %dma_start3A_428 = tpu.memref_slice %arg6[%dma_start3A_426, %dma_start3A_427] : memref<16x1024xf32, #tpu.memory_space<hbm>> -> memref<8x1024xf32, #tpu.memory_space<hbm>>
        tpu.enqueue_dma source(%arg9 : memref<8x1024xf32, #tpu.memory_space<vmem>>) target(%dma_start3A_428 : memref<8x1024xf32, #tpu.memory_space<hbm>>) target_semaphore(%run_scoped3A : memref<!tpu.dma_semaphore, #tpu.memory_space<semaphore_mem>>)
        %dma_wait3A_429 = arith.constant 0 : i32
        %dma_wait3A_430 = arith.constant 0 : i32
        %dma_wait3A_431 = tpu.memref_slice %arg6[%dma_wait3A_429, %dma_wait3A_430] : memref<16x1024xf32, #tpu.memory_space<hbm>> -> memref<8x1024xf32, #tpu.memory_space<hbm>>
        %dma_wait3A_432 = arith.constant 0 : i32
        %dma_wait3A_433 = arith.constant 0 : i32
        %dma_wait3A_434 = tpu.memref_slice %arg6[%dma_wait3A_432, %dma_wait3A_433] : memref<16x1024xf32, #tpu.memory_space<hbm>> -> memref<8x1024xf32, #tpu.memory_space<hbm>>
        tpu.wait_dma2 semaphore(%run_scoped3A : memref<!tpu.dma_semaphore, #tpu.memory_space<semaphore_mem>>) src(%arg9 : memref<8x1024xf32, #tpu.memory_space<vmem>>) dst(%dma_wait3A_434 : memref<8x1024xf32, #tpu.memory_space<hbm>>)
        tpu.yield
      }) : () -> ()
    } else {
    }
    %eq3A_413 = arith.constant 17 : i32
    %eq3A_414 = arith.cmpi eq, %add3A, %eq3A_413 : i32
    %convert_element_type3A_415 = arith.extui %eq3A_414 : i1 to i32
    %cond3A_416 = arith.constant 0 : i32
    %cond3A_417 = arith.cmpi ne, %convert_element_type3A_415, %cond3A_416 : i32
    scf.if %cond3A_417 {
      %dma_wait3A_418 = arith.constant 0 : i32
      %dma_wait3A_419 = arith.constant 0 : i32
      %dma_wait3A_420 = tpu.memref_slice %arg2[%dma_wait3A_418, %dma_wait3A_419] : memref<8192x1024xf32, #tpu.memory_space<hbm>> -> memref<8192x1024xf32, #tpu.memory_space<hbm>>
      tpu.wait_indirect_dma semaphore(%arg24 : memref<!tpu.dma_semaphore, #tpu.memory_space<semaphore_mem>>) src(%dma_wait3A_420 : memref<8192x1024xf32, #tpu.memory_space<hbm>>) dst(%arg10 : memref<16x1024xf32, #tpu.memory_space<vmem>>)
      "tpu.region"() ({
        %run_scoped3A = tpu.sem_alloc : memref<!tpu.dma_semaphore, #tpu.memory_space<semaphore_mem>>
        %dma_start3A_421 = arith.constant 8 : i32
        %dma_start3A_422 = arith.constant 0 : i32
        %dma_start3A_423 = tpu.memref_slice %arg10[%dma_start3A_421, %dma_start3A_422] : memref<16x1024xf32, #tpu.memory_space<vmem>> -> memref<8x1024xf32, #tpu.memory_space<vmem>>
        %dma_start3A_424 = arith.constant 8 : i32
        %dma_start3A_425 = arith.constant 0 : i32
        %dma_start3A_426 = tpu.memref_slice %arg6[%dma_start3A_424, %dma_start3A_425] : memref<16x1024xf32, #tpu.memory_space<hbm>> -> memref<8x1024xf32, #tpu.memory_space<hbm>>
        %dma_start3A_427 = arith.constant 8 : i32
        %dma_start3A_428 = arith.constant 0 : i32
        %dma_start3A_429 = tpu.memref_slice %arg6[%dma_start3A_427, %dma_start3A_428] : memref<16x1024xf32, #tpu.memory_space<hbm>> -> memref<8x1024xf32, #tpu.memory_space<hbm>>
        %dma_start3A_430 = arith.constant 8 : i32
        %dma_start3A_431 = arith.constant 0 : i32
        %dma_start3A_432 = tpu.memref_slice %arg10[%dma_start3A_430, %dma_start3A_431] : memref<16x1024xf32, #tpu.memory_space<vmem>> -> memref<8x1024xf32, #tpu.memory_space<vmem>>
        tpu.enqueue_dma source(%dma_start3A_432 : memref<8x1024xf32, #tpu.memory_space<vmem>>) target(%dma_start3A_429 : memref<8x1024xf32, #tpu.memory_space<hbm>>) target_semaphore(%run_scoped3A : memref<!tpu.dma_semaphore, #tpu.memory_space<semaphore_mem>>)
        %dma_wait3A_433 = arith.constant 8 : i32
        %dma_wait3A_434 = arith.constant 0 : i32
        %dma_wait3A_435 = tpu.memref_slice %arg10[%dma_wait3A_433, %dma_wait3A_434] : memref<16x1024xf32, #tpu.memory_space<vmem>> -> memref<8x1024xf32, #tpu.memory_space<vmem>>
        %dma_wait3A_436 = arith.constant 8 : i32
        %dma_wait3A_437 = arith.constant 0 : i32
        %dma_wait3A_438 = tpu.memref_slice %arg6[%dma_wait3A_436, %dma_wait3A_437] : memref<16x1024xf32, #tpu.memory_space<hbm>> -> memref<8x1024xf32, #tpu.memory_space<hbm>>
        %dma_wait3A_439 = arith.constant 8 : i32
        %dma_wait3A_440 = arith.constant 0 : i32
        %dma_wait3A_441 = tpu.memref_slice %arg6[%dma_wait3A_439, %dma_wait3A_440] : memref<16x1024xf32, #tpu.memory_space<hbm>> -> memref<8x1024xf32, #tpu.memory_space<hbm>>
        %dma_wait3A_442 = arith.constant 8 : i32
        %dma_wait3A_443 = arith.constant 0 : i32
        %dma_wait3A_444 = tpu.memref_slice %arg10[%dma_wait3A_442, %dma_wait3A_443] : memref<16x1024xf32, #tpu.memory_space<vmem>> -> memref<8x1024xf32, #tpu.memory_space<vmem>>
        tpu.wait_dma2 semaphore(%run_scoped3A : memref<!tpu.dma_semaphore, #tpu.memory_space<semaphore_mem>>) src(%dma_wait3A_444 : memref<8x1024xf32, #tpu.memory_space<vmem>>) dst(%dma_wait3A_441 : memref<8x1024xf32, #tpu.memory_space<hbm>>)
        tpu.yield
      }) : () -> ()
    } else {
    }
    return
  }
}

module attributes {stable_mosaic.version = 14 : i64} {
  func.func @_patch_body(%arg0: i32, %arg1: memref<8x1024xf32, #tpu.memory_space<vmem>>, %arg2: memref<8x1024xf32, #tpu.memory_space<vmem>>, %arg3: memref<8x1024xf32, #tpu.memory_space<vmem>>) attributes {dimension_semantics = [#tpu.dimension_semantics<arbitrary>], iteration_bounds = array<i64: 2>, scalar_prefetch = 0 : i64, scratch_operands = 0 : i64, tpu.core_type = #tpu.core_type<tc>, window_params = [{transform_indices = @transform_0, window_bounds = array<i64: 8, 1024>}, {transform_indices = @transform_1, window_bounds = array<i64: 8, 1024>}, {transform_indices = @transform_2, window_bounds = array<i64: 8, 1024>}]} {
    %iota3A = tpu.iota {dimensions = array<i32: 0>} : vector<8x1024xi32>
    %get3A = arith.constant 0 : index
    %get3A_0 = arith.constant 0 : index
    %get3A_1 = vector.load %arg2[%get3A, %get3A_0] : memref<8x1024xf32, #tpu.memory_space<vmem>>, vector<1x1024xf32>
    %broadcast_in_dim3A = vector.shape_cast %get3A_1 : vector<1x1024xf32> to vector<1x1024xf32>
    %broadcast_in_dim3A_2 = vector.broadcast %broadcast_in_dim3A : vector<1x1024xf32> to vector<8x1024xf32>
    %eq3A = arith.constant 0 : i32
    %eq3A_3 = vector.broadcast %eq3A : i32 to vector<8x1024xi32>
    %eq3A_4 = arith.cmpi eq, %iota3A, %eq3A_3 : vector<8x1024xi32>
    %get3A_5 = arith.constant 0 : index
    %get3A_6 = arith.constant 0 : index
    %get3A_7 = vector.load %arg1[%get3A_5, %get3A_6] : memref<8x1024xf32, #tpu.memory_space<vmem>>, vector<8x1024xf32>
    %select_n3A = arith.select %eq3A_4, %broadcast_in_dim3A_2, %get3A_7 : vector<8x1024xi1>, vector<8x1024xf32>
    %eq3A_8 = arith.constant 0 : i32
    %eq3A_9 = arith.cmpi eq, %arg0, %eq3A_8 : i32
    %select_n3A_10 = arith.select %eq3A_9, %select_n3A, %broadcast_in_dim3A_2 : vector<8x1024xf32>
    %swap3A = arith.constant 0 : index
    %swap3A_11 = arith.constant 0 : index
    %swap3A_12 = vector.load %arg3[%swap3A, %swap3A_11] : memref<8x1024xf32, #tpu.memory_space<vmem>>, vector<8x1024xf32>
    tpu.vector_store %arg3[%swap3A, %swap3A_11], %select_n3A_10 {strides = array<i32>} : memref<8x1024xf32, #tpu.memory_space<vmem>>, vector<8x1024xf32>,
    return
  }
  func.func @transform_0(%arg0: i32) -> (i32, i32) {
    %mul3A = arith.constant 512 : i32
    %mul3A_0 = arith.muli %arg0, %mul3A : i32
    %c0_i32 = arith.constant 0 : i32
    %c0_i32_1 = arith.constant 0 : i32
    return %mul3A_0, %c0_i32 : i32, i32
  }
  func.func @transform_1(%arg0: i32) -> (i32, i32) {
    %c0_i32 = arith.constant 0 : i32
    %c0_i32_0 = arith.constant 0 : i32
    return %arg0, %c0_i32 : i32, i32
  }
  func.func @transform_2(%arg0: i32) -> (i32, i32) {
    %mul3A = arith.constant 512 : i32
    %mul3A_0 = arith.muli %arg0, %mul3A : i32
    %c0_i32 = arith.constant 0 : i32
    %c0_i32_1 = arith.constant 0 : i32
    return %mul3A_0, %c0_i32 : i32, i32
  }
}

</mosaic_0001>

<sc_bundles>
// kernel: _pixel_encoding.4.cloned.1.call-start
scs
__scs_entry_jumppad:
0x0: {  	(pc) =	sbr.rel $0x88, $3  }
0x1: {  	(tag) =	ssettag $0x0;
	lr =	simm.s32 $0x1  }
0x2: {  	[smem:$0x3F9E] =	sst lr;
	_ =	strace $0xD0000000  }
0x3: {  	_ = 	snop  }
0x4: {  	_ = 	snop  }
0x5: {  	_ = 	snop  }
0x6: {  	_ = 	snop  }
0x7: {  	_ = 	snop  }
__scs_overlays_trampoline_lowered:
0x8: {  	[smem:$0x3FAD] =	sst s0  }
0x9: {  	[smem:$0x3FAE] =	sst s1  }
0xa: {  	[smem:$0x3FAF] =	sst s2  }
0xb: {  	[smem:$0x3FB0] =	sst s3  }
0xc: {  	[smem:$0x3FB1] =	sst s4  }
0xd: {  	[smem:$0x3FB2] =	sst s5  }
0xe: {  	[smem:$0x3FB3] =	sst s6  }
0xf: {  	[smem:$0x3FB4] =	sst s7  }
0x10: {  	[smem:$0x3FB5] =	sst s8  }
0x11: {  	[smem:$0x3FB6] =	sst s9;
	s0 =	simm.s32 @!p0 $0x0  }
0x12: {  	s1 =	sld [smem:$0x3F9C];
	s0 =	simm.s32 @p0 $0x1  }
0x13: {  	[smem:$0x3FB7] =	sst s0;
	s0 =	simm.s32 @!p1 $0x0  }
0x14: {  	s2 =	sld [smem:$0x3F9B];
	s0 =	simm.s32 @p1 $0x1  }
0x15: {  	[smem:$0x3FB8] =	sst s0;
	s0 =	simm.s32 @!p2 $0x0  }
0x16: {  	s3 =	sld [smem:$0x3FDB];
	s0 =	simm.s32 @p2 $0x1  }
0x17: {  	s4 =	simm.s32 $0x1BF5;
	[smem:$0x3FBA] =	sst s0  }
0x18: {  	s0 =	sld [smem:$0x3F9D];
	_ =	swait.ge [sflag:s4], $0x0  }
0x19: {  	s7 =	sld [smem:$0x3F9E]  }
0x1a: {  	s8 =	sadd.s32 $0xFFFFE003, lr  }
0x1b: {  	s9 =	sadd.s32 $0xFFFFFEF7, lr;
	s5 =	simm.s32 $0xFFFFFFFF;
	p2 =	slt.u32 s8, $0xFFFFF086  }
0x1c: {  	p1 =	slt.u32 s9, $0xF7A;
	s5 =	simm.s32 @!p2 $0x0  }
0x1d: {  	s5 =	simm.s32 @p1 $0x1;
	p0 =	seq.s32 s7, s2  }
0x1e: {  	s7 =	smul.u32 @!p0 $0xF7A, s2;
	p2 =	seq.s32 @!p0 s5, $0x0  }
0x1f: {  	s9 =	smul.u32 $0xF7A, s1;
	s8 =	simm.s32 @!p0 $0x1BF5;
	p2 =	por !p2, p0  }
0x20: {  	[sflag:s8] =	ssyncset.s32 @!p0 $0xFFFFF086;
	s6 =	sadd.s32 @!p0 s3, s7;
	s7 =	simm.s32 @!p0 $0x108  }
0x21: {  	s3 =	sadd.s32 s3, s9;
	s6 =	sadd.s32 @!p0 $0x88, s6;
	s7 =	simm.s32 @p2 $0x1082  }
0x22: {  	[simem:s7], [sflag:s8] =	dma.local @!p0 [hbm:s6], $0xF7A  }
0x23: {  	s9 =	sor.u32 $0xD0000000, s2;
	s6 =	simm.s32 $0x108;
	_ =	swait.ge @!p0 [sflag:s8], $0x0  }
0x24: {  	s3 =	sadd.s32 $0x88, s3;
	s6 =	simm.s32 @!p1 $0x1082;
	[sflag:s4] =	ssyncset.s32 $0xFFFFF086  }
0x25: {  	[simem:s6], [sflag:s4] =	dma.local [hbm:s3], $0xF7A  }
0x26: {  	[smem:$0x3F9E] =	sst s1;
	(tag) =	ssettag s2;
	_ =	strace s9  }
0x27: {  	s1 =	sld [smem:$0x3FAE]  }
0x28: {  	s2 =	sld [smem:$0x3FAF]  }
0x29: {  	s4 =	sld [smem:$0x3FB1]  }
0x2a: {  	p0 =	seq.s32 s5, $0x0;
	s5 =	sld [smem:$0x3FB2]  }
0x2b: {  	s6 =	sld [smem:$0x3FB3]  }
0x2c: {  	s7 =	sld [smem:$0x3FB4]  }
0x2d: {  	s3 =	simm.s32 $0x108;
	s8 =	sld [smem:$0x3FB5]  }
0x2e: {  	s3 =	simm.s32 @!p0 $0x1082;
	s9 =	sld [smem:$0x3FB6]  }
0x2f: {  	lr =	sadd.s32 s0, s3;
	s0 =	sld [smem:$0x3FAD]  }
0x30: {  	s3 =	sld [smem:$0x3FB0]  }
0x31: {  	[smem:$0x3FB9] =	sst s10  }
0x32: {  	s10 =	sld [smem:$0x3FB7];
	_ =	sdelay $0x3  }
0x33: {  	p0 =	seq.s32 s10, $0x1;
	s10 =	sld [smem:$0x3FB9];
	_ =	sdelay $0x3  }
0x34: {  	[smem:$0x3FB9] =	sst s10  }
0x35: {  	s10 =	sld [smem:$0x3FB8];
	_ =	sdelay $0x3  }
0x36: {  	p1 =	seq.s32 s10, $0x1;
	s10 =	sld [smem:$0x3FB9];
	_ =	sdelay $0x3  }
0x37: {  	[smem:$0x3FB9] =	sst s10  }
0x38: {  	s10 =	sld [smem:$0x3FBA]  }
0x39: {  	_ = 	snop;
	(pc) =	sbr.ind lr, $3  }
0x3a: {  	_ = 	snop  }
0x3b: {  	_ = 	snop  }
0x3c: {  	p2 =	seq.s32 s10, $0x1;
	s10 =	sld [smem:$0x3FB9]  }
0x3d: {  	_ =	shalt  }
0x3e: {  	_ =	shalt  }
0x3f: {  	_ =	shalt  }
0x40: {  	_ =	shalt  }
0x41: {  	_ =	shalt  }
0x42: {  	_ =	shalt  }
0x43: {  	_ =	shalt  }
0x44: {  	_ =	shalt  }
0x45: {  	_ =	shalt  }
0x46: {  	_ =	shalt  }
0x47: {  	_ =	shalt  }
0x48: {  	_ =	shalt  }
0x49: {  	_ =	shalt  }
0x4a: {  	_ =	shalt  }
0x4b: {  	_ =	shalt  }
0x4c: {  	_ =	shalt  }
0x4d: {  	_ =	shalt  }
0x4e: {  	_ =	shalt  }
0x4f: {  	_ =	shalt  }
0x50: {  	_ =	shalt  }
0x51: {  	_ =	shalt  }
0x52: {  	_ =	shalt  }
0x53: {  	_ =	shalt  }
0x54: {  	_ =	shalt  }
0x55: {  	_ =	shalt  }
0x56: {  	_ =	shalt  }
0x57: {  	_ =	shalt  }
0x58: {  	_ =	shalt  }
0x59: {  	_ =	shalt  }
0x5a: {  	_ =	shalt  }
0x5b: {  	_ =	shalt  }
0x5c: {  	_ =	shalt  }
0x5d: {  	_ =	shalt  }
0x5e: {  	_ =	shalt  }
0x5f: {  	_ =	shalt  }
0x60: {  	_ =	shalt  }
0x61: {  	_ =	shalt  }
0x62: {  	_ =	shalt  }
0x63: {  	_ =	shalt  }
0x64: {  	_ =	shalt  }
0x65: {  	_ =	shalt  }
0x66: {  	_ =	shalt  }
0x67: {  	_ =	shalt  }
0x68: {  	_ =	shalt  }
0x69: {  	_ =	shalt  }
0x6a: {  	_ =	shalt  }
0x6b: {  	_ =	shalt  }
0x6c: {  	_ =	shalt  }
0x6d: {  	_ =	shalt  }
0x6e: {  	_ =	shalt  }
0x6f: {  	_ =	shalt  }
0x70: {  	_ =	shalt  }
0x71: {  	_ =	shalt  }
0x72: {  	_ =	shalt  }
0x73: {  	_ =	shalt  }
0x74: {  	_ =	shalt  }
0x75: {  	_ =	shalt  }
0x76: {  	_ =	shalt  }
0x77: {  	_ =	shalt  }
0x78: {  	_ =	shalt  }
0x79: {  	_ =	shalt  }
0x7a: {  	_ =	shalt  }
0x7b: {  	_ =	shalt  }
0x7c: {  	_ =	shalt  }
0x7d: {  	_ =	shalt  }
0x7e: {  	_ =	shalt  }
0x7f: {  	_ =	shalt  }
0x80: {  	_ =	shalt  }
0x81: {  	_ =	shalt  }
0x82: {  	_ =	shalt  }
0x83: {  	_ =	shalt  }
0x84: {  	_ =	shalt  }
0x85: {  	_ =	shalt  }
0x86: {  	_ =	shalt  }
0x87: {  	_ =	shalt  }
.Lfunc_end0:
.L_simem_size_0:
called_computation_lowered:
.L_overlay_start_0:
0x88: {  	s2 =	sld [smem:$0x3FD9]  }
0x89: {  	s3 =	sld [smem:$0x3FFE];
	_ =	sdelay $0x1  }
0x8a: {  	s1 =	srdreg.scid  }
0x8b: {  	s0 =	sand.u32 $0x1, s1  }
0x8c: {  	s17 =	sshll.u32 s0, $0xA;
	s2 =	sadd.s32 s3, s2  }
0x8d: {  	s2 =	sadd.s32 s2, s17  }
0x8e: {  	[smem:$0x3FC5] =	sst s2  }
0x8f: {  	_ = 	snop  }
0x90: {  	s2 =	sld [smem:$0x3FC9]  }
0x91: {  	s18 =	sld [smem:$0x3FC8]  }
0x92: {  	s4 =	sld [smem:$0x3FC7]  }
0x93: {  	s5 =	sld [smem:$0x3FD0];
	(tm) =	ssettm $0x1  }
0x94: {  	s6 =	sld [smem:$0x3FFB];
	_ =	sdelay $0x3  }
0x95: {  	_ =	strace s6  }
0x96: {  	s6 =	sld [smem:$0x3FFC];
	_ =	sdelay $0x3  }
0x97: {  	_ =	strace s6  }
0x98: {  	s6 =	sld [smem:$0x3FFD];
	_ =	sdelay $0x3  }
0x99: {  	_ =	strace s6  }
0x9a: {  	_ =	strace $0x8FFFFFFF  }
0x9b: {  	s19 =	sld [smem:$0x3FDB];
	_ =	sdelay $0x1  }
0x9c: {  	s7 =	simm.s32 $_scs_section_size  }
0x9d: {  	s8 =	simm.s32 $_size__tile_overlayer_lowered;
	s9 =	simm.s32 $_tile_overlayer_lowered  }
0x9e: {  	s22 =	simm.s32 $0x1BFF;
	s21 =	sshll.u32 s9, $0x1;
	s6 =	sadd.s32 s7, s19  }
0x9f: {  	s10 =	simm.s32 $0x0;
	s20 =	sshll.u32 s8, $0x1;
	s8 =	sadd.s32 s21, s6  }
0xa0: {  	[timem:s10], [sflag:s22] =	dma.local [hbm:s8], s20  }
0xa1: {  	_ =	swait.ge [sflag:s22], s20  }
0xa2: {  	s7 =	ssub.s32 $0x0, s20;
	[sflag:s22] =	ssyncset.done $0x0  }
0xa3: {  	[sflag:s22] =	ssyncadd.s32 s7;
	_ =	sdelay $0x1  }
0xa4: {  	s23 =	simm.s32 $0x1B8B  }
0xa5: {  	_ =	swait.ge [sflag:s23], $0x1  }
0xa6: {  	[sflag:s23] =	ssyncset.done $0x0  }
0xa7: {  	s25 =	simm.s32 $0x1B8E;
	s24 =	sld [smem:$0x3FFE];
	[sflag:s23] =	ssyncadd.s32 $0xFFFFFFFF  }
0xa8: {  	s26 =	simm.s32 $execute0_lowered;
	[smem:$0x3FD2] =	sst s25  }
0xa9: {  	s8 =	sshll.u32 s26, $0x1;
	_ =	strace $0x80000046;
	[dreg:$0x1] =	wrdreg $0xFFFFFFFF  }
0xaa: {  	s28 =	simm.s32 $_size_execute0_lowered;
	s6 =	sadd.s32 s6, s8;
	[dreg:$0x0] =	wrdreg $0x0  }
0xab: {  	s8 =	sshll.u32 s28, $0x1;
	[dreg:$0x2] =	wrdreg s6  }
0xac: {  	[dreg:$0x3] =	wrdreg s8  }
0xad: {  	[dreg:$0x4] =	wrdreg $0xC0  }
0xae: {  	_ =	task [dreg:s10], $0x5FFFF  }
0xaf: {  	[dreg:$0x1] =	wrdreg $0xFFFFFFFF  }
0xb0: {  	[dreg:$0x0] =	wrdreg $0x60  }
0xb1: {  	[dreg:$0x2] =	wrdreg s18  }
0xb2: {  	[dreg:$0x3] =	wrdreg s4  }
0xb3: {  	[dreg:$0x4] =	wrdreg s2  }
0xb4: {  	[dreg:$0x5] =	wrdreg s5  }
0xb5: {  	[dreg:$0x6] =	wrdreg s24  }
0xb6: {  	[dreg:$0x7] =	wrdreg $0x9  }
0xb7: {  	_ =	task.clear_ibuf [dreg:s10], $0x8FFFF;
	_ =	strace $0x90000046  }
0xb8: {  	s29 =	simm.s32 $0x9;
	_ =	strace $0x80000048  }
0xb9: {  	_ =	swait.ge [sflag:s29], $0x1  }
0xba: {  	[sflag:s29] =	ssyncadd.s32 $0xFFFFFFFF  }
0xbb: {  	_ =	strace $0x90000048  }
0xbc: {  	_ =	sfence  }
0xbd: {  	s30 =	sld [smem:$0x0];
	_ =	sdelay $0x2  }
0xbe: {  	s31 =	sshll.u32 s1, $0xD;
	s1 =	sshrl.u32 s1, $0x2  }
0xbf: {  	s3 =	sand.u32 $0x4000, s31;
	s1 =	sadd.s32 s1, s30  }
0xc0: {  	s0 =	sor.u32 s3, s0;
	s1 =	sshll.u32 s1, $0x11  }
0xc1: {  	s0 =	sor.u32 s1, s0  }
0xc2: {  	s0 =	sadd.s32 $0x8F2B, s0  }
0xc3: {  	[sflag:s0] =	ssyncadd.remote.s32 $0x1  }
0xc4: {  	_ =	sfence.sel $0xFFFF  }
0xc5: {  	[dreg:$0x0] =	wrdreg $0xFFFFFFFF;
	(pc) =	sbr.abs _section_cstart, $3  }
0xc6: {  	[dreg:$0x1] =	wrdreg $0xFFFFFFFF  }
0xc7: {  	_ =	task.clear_ibuf [dreg:s10], $0x2FFFF;
	_ =	strace $0x9FFFFFFF  }
0xc8: {  	(tm) =	ssettm $0x7FFFFFFF  }
0xc9: {  	_ =	shalt  }
tec
execute0_lowered:
.L_overlay_start_1:
0x0: {  	(tag) =	ssettag $0x1  }
0x1: {  	s1 =	rddreg [dreg:$0x0]  }
0x2: {  	s12 =	rddreg [dreg:$0x1]  }
0x3: {  	s2 =	rddreg [dreg:$0x2]  }
0x4: {  	s3 =	rddreg [dreg:$0x3]  }
0x5: {  	s5 =	rddreg [dreg:$0x4];
	s4 =	simm.s32 $0x0  }
0x6: {  	[smem:$0x7FF] =	sst s4;
	s26 =	sadd.s32 $0xA00, s5  }
0x7: {  	s15 =	sadd.s32 $0xE00, s5;
	_ =	strace $0x80000047;
	[dreg:$0x6] =	wrdreg s26  }
0x8: {  	s16 =	simm.s32 $0xE900;
	[dreg:$0xf] =	wrdreg s15  }
0x9: {  	s17 =	simm.s32 $0xF100;
	[dreg:$0x10] =	wrdreg s16  }
0xa: {  	s18 =	simm.s32 $0xF900;
	[dreg:$0x11] =	wrdreg s17  }
0xb: {  	s19 =	simm.s32 $0x10100;
	[dreg:$0x12] =	wrdreg s18  }
0xc: {  	s0 =	srdreg.scid;
	s20 =	simm.s32 $0x10900;
	[dreg:$0x13] =	wrdreg s19  }
0xd: {  	s7 =	stileid.u32;
	s21 =	simm.s32 $0x11100;
	[dreg:$0x14] =	wrdreg s20  }
0xe: {  	s22 =	simm.s32 $0x11900;
	s24 =	simm.s32 $0x12900;
	[dreg:$0x15] =	wrdreg s21  }
0xf: {  	s6 =	sand.u32 $0x1, s0;
	s25 =	sshll.u32 s7, $0x1;
	[dreg:$0x16] =	wrdreg s22  }
0x10: {  	s0 =	sor.u32 s6, s25;
	[dreg:$0x17] =	wrdreg s24;
	s25 =	simm.s32 $0x13100  }
0x11: {  	s26 =	simm.s32 $0x13900;
	[dreg:$0x18] =	wrdreg s25  }
0x12: {  	s16 =	sadd.s32 $0x300, s12;
	[dreg:$0x19] =	wrdreg s26  }
0x13: {  	s15 =	simm.s32 $0x17100;
	[smem:$0x7F1] =	sst s16  }
0x14: {  	s17 =	simm.s32 $0x17900;
	[dreg:$0x1f] =	wrdreg s15  }
0x15: {  	s18 =	simm.s32 $0x18100;
	[smem:$0x7F2] =	sst s17  }
0x16: {  	s19 =	simm.s32 $0x18900;
	[smem:$0x7F3] =	sst s18  }
0x17: {  	p2 =	por $0x0, $0x0;
	s20 =	simm.s32 $0x19100;
	[smem:$0x7F4] =	sst s19  }
0x18: {  	s28 =	simm.s32 $0x8900;
	s21 =	simm.s32 $0x19900;
	[smem:$0x7F5] =	sst s20  }
0x19: {  	s29 =	simm.s32 $0x9100;
	s22 =	simm.s32 $0x1A900;
	[smem:$0x7F6] =	sst s21  }
0x1a: {  	s23 =	ssub.s32 $0x2, s6;
	s24 =	simm.s32 $0x1B900;
	[smem:$0x7F7] =	sst s22  }
0x1b: {  	s8 =	sshll.u32 s0, $0x4;
	[smem:$0x7F9] =	sst s24;
	s25 =	simm.s32 $0x1C100  }
0x1c: {  	s9 =	sshll.u32 s0, $0xE;
	s26 =	simm.s32 $0x1C900;
	[smem:$0x7FA] =	sst s25  }
0x1d: {  	s6 =	sshrl.u32 s23, $0x1;
	s30 =	sadd.s32 s2, s8;
	[smem:$0x7FB] =	sst s26  }
0x1e: {  	p0 =	seq.s32 s0, $0x11;
	s31 =	sadd.s32 s3, s9;
	[dreg:$0x7] =	wrdreg s30  }
0x1f: {  	p1 =	sne.s32 s0, $0x0;
	s2 =	sadd.s32 $0x1FF, s2;
	[smem:$0x7ED] =	sst s31  }
0x20: {  	s5 =	ssub.s32 s23, s6;
	s23 =	simm.s32 $0x1B100;
	[smem:$0x7EE] =	sst s2  }
0x21: {  	s17 =	simm.s32 $0x1;
	s3 =	sadd.s32 $0x800, s31;
	[smem:$0x7F8] =	sst s23  }
0x22: {  	s18 =	simm.s32 $0x7;
	s7 =	sadd.s32 $0x1000, s31;
	[dreg:$0x8] =	wrdreg s3  }
0x23: {  	s19 =	simm.s32 $0x2;
	s9 =	sadd.s32 $0x1800, s31;
	[dreg:$0x9] =	wrdreg s7  }
0x24: {  	s20 =	simm.s32 $0x8;
	s10 =	sadd.s32 $0x2000, s31;
	[dreg:$0xa] =	wrdreg s9  }
0x25: {  	s24 =	simm.s32 $0x6900;
	s11 =	sadd.s32 $0x2800, s31;
	[dreg:$0xb] =	wrdreg s10  }
0x26: {  	s15 =	simm.s32 $0x9900;
	s13 =	sadd.s32 $0x3000, s31;
	[dreg:$0xc] =	wrdreg s11  }
0x27: {  	s6 =	sadd.s32 $0x100, s1;
	s14 =	sadd.s32 $0x3800, s31;
	[dreg:$0xd] =	wrdreg s13  }
0x28: {  	s8 =	sadd.s32 $0x300, s1;
	s30 =	simm.s32 $0x14100;
	[dreg:$0xe] =	wrdreg s14  }
0x29: {  	p4 =	sne.s32 @!p0 s0, $0x0;
	s31 =	simm.s32 $0x14900;
	[dreg:$0x1a] =	wrdreg s30  }
0x2a: {  	s25 =	simm.s32 $0x7900;
	[dreg:$0x1b] =	wrdreg s31;
	s9 =	simm.s32 $0x15100  }
0x2b: {  	s26 =	simm.s32 $0x8100;
	s11 =	sadd.s32 $0x100, s12;
	[dreg:$0x1c] =	wrdreg s9  }
0x2c: {  	p3 =	por p4, p0;
	s10 =	simm.s32 $0x15900;
	[smem:$0x7EF] =	sst s11  }
0x2d: {  	p4 =	por !p4, p0;
	s14 =	sadd.s32 $0x200, s12;
	[dreg:$0x1d] =	wrdreg s10  }
0x2e: {  	s23 =	simm.s32 $0x6100;
	s13 =	simm.s32 $0x16900;
	[smem:$0x7F0] =	sst s14  }
0x2f: {  	s7 =	sadd.s32 $0x200, s1;
	s30 =	simm.s32 $0x1D100;
	[dreg:$0x1e] =	wrdreg s13  }
0x30: {  	v2 =	vlaneseq.u32;
	vm0 =	vmmov $0xffff;
	s31 =	simm.s32 $0x1D900;
	s12 =	simm.s32 $0x7100;
	[smem:$0x7FC] =	sst s30  }
0x31: {  	v1 =	vshrl.u32 v2, $0x3;
	v0 =	vand.u32 $0x7, v2;
	v2 =	vor.u32 $0x8, v2;
	s13 =	smax.u32 s5, $0x1;
	[smem:$0x7FD] =	sst s31;
	s5 =	simm.s32 $0xA100  }
0x32: {  	v1 =	vmul.u32 $0x8, v1;
	vm1 =	vmmov @p0 $0xffff;
	vm2 =	vmmov @!p3 $0xffff;
	s11 =	simm.s32 $0x12100;
	s10 =	simm.s32 $0x16100;
	s9 =	simm.s32 $0x1A100  }
.LBB2_1:
0x33: {  	s30 =	rddreg [dreg:$0x7];
	s0 =	simm.s32 $0xE  }
0x34: {  	[tilespmem:s4], [sflag:$0xE] =	stream.linear.gather [hbm4b:s30+s4], $0x80, $0x38;
	[tilespmem:$0x1E100] =	vst v63  }
0x35: {  	_ =	swait.ge [sflag:s0], $0x80  }
0x36: {  	[sflag:s0] =	ssyncset.done $0x0  }
0x37: {  	[sflag:s0] =	ssyncadd.s32 $0xFFFFFF80  }
0x38: {  	v3 =	vld [tilespmem:$0x0];
	_ =	sdelay $0x4  }
0x39: {  	v4 =	vshll.u32 v3, $0x3  }
0x3a: {  	v3 =	vand.u32 $0x7, v3;
	v4 =	vand.u32 $0xFFFFFFC0, v4  }
0x3b: {  	v3 =	vor.u32 v3, v4  }
0x3c: {  	v4 =	vperm.xlane v3, v0;
	_ =	sdelay $0x1  }
0x3d: {  	v4 =	vadd.s32 v1, v4;
	_ =	sdelay $0x4  }
0x3e: {  	[tilespmem:s23], [sflag:$0x1] =	stream.indirect_vreg.gather [hbm4b:s1+s4], $0x80, v4, vm0, $0xb8;
	[tilespmem:$0x1E100] =	vst v63  }
0x3f: {  	v3 =	vperm.xlane v3, v2  }
0x40: {  	[tilespmem:s24], [sflag:$0x1] =	stream.indirect_vreg.gather [hbm4b:s6+s4], $0x80, v4, vm0, $0xb8;
	[tilespmem:$0x1E100] =	vst v63  }
0x41: {  	v3 =	vadd.s32 v1, v3  }
0x42: {  	[tilespmem:s12], [sflag:$0x1] =	stream.indirect_vreg.gather [hbm4b:s7+s4], $0x80, v4, vm0, $0xb8;
	[tilespmem:$0x1E100] =	vst v63  }
0x43: {  	_ = 	snop  }
0x44: {  	[tilespmem:s25], [sflag:$0x1] =	stream.indirect_vreg.gather [hbm4b:s8+s4], $0x80, v4, vm0, $0xb8;
	[tilespmem:$0x1E100] =	vst v63  }
0x45: {  	_ = 	snop  }
0x46: {  	[tilespmem:s26], [sflag:$0x1] =	stream.indirect_vreg.gather [hbm4b:s1+s4], $0x80, v3, vm0, $0xb8;
	[tilespmem:$0x1E100] =	vst v63  }
0x47: {  	_ = 	snop  }
0x48: {  	[tilespmem:s28], [sflag:$0x1] =	stream.indirect_vreg.gather [hbm4b:s6+s4], $0x80, v3, vm0, $0xb8;
	[tilespmem:$0x1E100] =	vst v63  }
0x49: {  	_ = 	snop  }
0x4a: {  	[tilespmem:s29], [sflag:$0x1] =	stream.indirect_vreg.gather [hbm4b:s7+s4], $0x80, v3, vm0, $0xb8;
	[tilespmem:$0x1E100] =	vst v63  }
0x4b: {  	_ = 	snop  }
0x4c: {  	[tilespmem:s15], [sflag:$0x1] =	stream.indirect_vreg.gather [hbm4b:s8+s4], $0x80, v3, vm0, $0xb8;
	[tilespmem:$0x1E100] =	vst v63  }
0x4d: {  	v3 =	vld [tilespmem:$0x10];
	_ =	sdelay $0x4  }
0x4e: {  	v57 =	vshll.u32 v3, $0x3  }
0x4f: {  	v3 =	vand.u32 $0x7, v3;
	v4 =	vand.u32 $0xFFFFFFC0, v57  }
0x50: {  	v3 =	vor.u32 v3, v4  }
0x51: {  	v4 =	vperm.xlane v3, v0;
	_ =	sdelay $0x1  }
0x52: {  	v4 =	vadd.s32 v1, v4;
	_ =	sdelay $0x4  }
0x53: {  	[tilespmem:s5], [sflag:$0x2] =	stream.indirect_vreg.gather [hbm4b:s1+s4], $0x80, v4, vm0, $0xb8;
	[tilespmem:$0x1E100] =	vst v63  }
0x54: {  	s3 =	simm.s32 $0xA900;
	v3 =	vperm.xlane v3, v2  }
0x55: {  	[tilespmem:s3], [sflag:$0x2] =	stream.indirect_vreg.gather [hbm4b:s6+s4], $0x80, v4, vm0, $0xb8;
	[tilespmem:$0x1E100] =	vst v63  }
0x56: {  	s14 =	simm.s32 $0xB100;
	v3 =	vadd.s32 v1, v3  }
0x57: {  	[tilespmem:s14], [sflag:$0x2] =	stream.indirect_vreg.gather [hbm4b:s7+s4], $0x80, v4, vm0, $0xb8;
	[tilespmem:$0x1E100] =	vst v63  }
0x58: {  	s16 =	simm.s32 $0xB900  }
0x59: {  	[tilespmem:s16], [sflag:$0x2] =	stream.indirect_vreg.gather [hbm4b:s8+s4], $0x80, v4, vm0, $0xb8;
	[tilespmem:$0x1E100] =	vst v63  }
0x5a: {  	s21 =	simm.s32 $0xC100  }
0x5b: {  	[tilespmem:s21], [sflag:$0x2] =	stream.indirect_vreg.gather [hbm4b:s1+s4], $0x80, v3, vm0, $0xb8;
	[tilespmem:$0x1E100] =	vst v63  }
0x5c: {  	s22 =	simm.s32 $0xC900  }
0x5d: {  	[tilespmem:s22], [sflag:$0x2] =	stream.indirect_vreg.gather [hbm4b:s6+s4], $0x80, v3, vm0, $0xb8;
	[tilespmem:$0x1E100] =	vst v63  }
0x5e: {  	s30 =	simm.s32 $0xD100  }
0x5f: {  	[tilespmem:s30], [sflag:$0x2] =	stream.indirect_vreg.gather [hbm4b:s7+s4], $0x80, v3, vm0, $0xb8;
	[tilespmem:$0x1E100] =	vst v63  }
0x60: {  	s31 =	simm.s32 $0xD900  }
0x61: {  	[tilespmem:s31], [sflag:$0x2] =	stream.indirect_vreg.gather [hbm4b:s8+s4], $0x80, v3, vm0, $0xb8;
	[tilespmem:$0x1E100] =	vst v63  }
0x62: {  	v3 =	vld [tilespmem:$0x20];
	_ =	sdelay $0x4  }
0x63: {  	v58 =	vshll.u32 v3, $0x3  }
0x64: {  	v3 =	vand.u32 $0x7, v3;
	v4 =	vand.u32 $0xFFFFFFC0, v58  }
0x65: {  	v3 =	vor.u32 v3, v4  }
0x66: {  	v4 =	vperm.xlane v3, v0;
	_ =	sdelay $0x1  }
0x67: {  	v4 =	vadd.s32 v1, v4;
	_ =	sdelay $0x3  }
0x68: {  	s3 =	simm.s32 $0xE100  }
0x69: {  	[tilespmem:s3], [sflag:$0x3] =	stream.indirect_vreg.gather [hbm4b:s1+s4], $0x80, v4, vm0, $0xb8;
	[tilespmem:$0x1E100] =	vst v63  }
0x6a: {  	s2 =	rddreg [dreg:$0x10];
	v3 =	vperm.xlane v3, v2  }
0x6b: {  	[tilespmem:s2], [sflag:$0x3] =	stream.indirect_vreg.gather [hbm4b:s6+s4], $0x80, v4, vm0, $0xb8;
	[tilespmem:$0x1E100] =	vst v63  }
0x6c: {  	s31 =	rddreg [dreg:$0x11];
	v3 =	vadd.s32 v1, v3  }
0x6d: {  	[tilespmem:s31], [sflag:$0x3] =	stream.indirect_vreg.gather [hbm4b:s7+s4], $0x80, v4, vm0, $0xb8;
	[tilespmem:$0x1E100] =	vst v63  }
0x6e: {  	s14 =	rddreg [dreg:$0x12]  }
0x6f: {  	[tilespmem:s14], [sflag:$0x3] =	stream.indirect_vreg.gather [hbm4b:s8+s4], $0x80, v4, vm0, $0xb8;
	[tilespmem:$0x1E100] =	vst v63  }
0x70: {  	s16 =	rddreg [dreg:$0x13]  }
0x71: {  	[tilespmem:s16], [sflag:$0x3] =	stream.indirect_vreg.gather [hbm4b:s1+s4], $0x80, v3, vm0, $0xb8;
	[tilespmem:$0x1E100] =	vst v63  }
0x72: {  	s21 =	rddreg [dreg:$0x14]  }
0x73: {  	[tilespmem:s21], [sflag:$0x3] =	stream.indirect_vreg.gather [hbm4b:s6+s4], $0x80, v3, vm0, $0xb8;
	[tilespmem:$0x1E100] =	vst v63  }
0x74: {  	s22 =	rddreg [dreg:$0x15]  }
0x75: {  	[tilespmem:s22], [sflag:$0x3] =	stream.indirect_vreg.gather [hbm4b:s7+s4], $0x80, v3, vm0, $0xb8;
	[tilespmem:$0x1E100] =	vst v63  }
0x76: {  	s0 =	rddreg [dreg:$0x16]  }
0x77: {  	[tilespmem:s0], [sflag:$0x3] =	stream.indirect_vreg.gather [hbm4b:s8+s4], $0x80, v3, vm0, $0xb8;
	[tilespmem:$0x1E100] =	vst v63  }
0x78: {  	v3 =	vld [tilespmem:$0x30];
	_ =	sdelay $0x4  }
0x79: {  	v59 =	vshll.u32 v3, $0x3  }
0x7a: {  	v3 =	vand.u32 $0x7, v3;
	v4 =	vand.u32 $0xFFFFFFC0, v59  }
0x7b: {  	v3 =	vor.u32 v3, v4  }
0x7c: {  	v4 =	vperm.xlane v3, v0;
	_ =	sdelay $0x1  }
0x7d: {  	v4 =	vadd.s32 v1, v4;
	_ =	sdelay $0x4  }
0x7e: {  	[tilespmem:s11], [sflag:$0x4] =	stream.indirect_vreg.gather [hbm4b:s1+s4], $0x80, v4, vm0, $0xb8;
	[tilespmem:$0x1E100] =	vst v63  }
0x7f: {  	s2 =	rddreg [dreg:$0x17];
	v3 =	vperm.xlane v3, v2  }
0x80: {  	[tilespmem:s2], [sflag:$0x4] =	stream.indirect_vreg.gather [hbm4b:s6+s4], $0x80, v4, vm0, $0xb8;
	[tilespmem:$0x1E100] =	vst v63  }
0x81: {  	s3 =	rddreg [dreg:$0x18];
	v3 =	vadd.s32 v1, v3  }
0x82: {  	[tilespmem:s3], [sflag:$0x4] =	stream.indirect_vreg.gather [hbm4b:s7+s4], $0x80, v4, vm0, $0xb8;
	[tilespmem:$0x1E100] =	vst v63  }
0x83: {  	s14 =	rddreg [dreg:$0x19]  }
0x84: {  	[tilespmem:s14], [sflag:$0x4] =	stream.indirect_vreg.gather [hbm4b:s8+s4], $0x80, v4, vm0, $0xb8;
	[tilespmem:$0x1E100] =	vst v63  }
0x85: {  	s16 =	rddreg [dreg:$0x1a]  }
0x86: {  	[tilespmem:s16], [sflag:$0x4] =	stream.indirect_vreg.gather [hbm4b:s1+s4], $0x80, v3, vm0, $0xb8;
	[tilespmem:$0x1E100] =	vst v63  }
0x87: {  	s21 =	rddreg [dreg:$0x1b]  }
0x88: {  	[tilespmem:s21], [sflag:$0x4] =	stream.indirect_vreg.gather [hbm4b:s6+s4], $0x80, v3, vm0, $0xb8;
	[tilespmem:$0x1E100] =	vst v63  }
0x89: {  	s22 =	rddreg [dreg:$0x1c]  }
0x8a: {  	[tilespmem:s22], [sflag:$0x4] =	stream.indirect_vreg.gather [hbm4b:s7+s4], $0x80, v3, vm0, $0xb8;
	[tilespmem:$0x1E100] =	vst v63  }
0x8b: {  	s0 =	rddreg [dreg:$0x1d]  }
0x8c: {  	[tilespmem:s0], [sflag:$0x4] =	stream.indirect_vreg.gather [hbm4b:s8+s4], $0x80, v3, vm0, $0xb8;
	[tilespmem:$0x1E100] =	vst v63  }
0x8d: {  	v3 =	vld [tilespmem:$0x40];
	_ =	sdelay $0x4  }
0x8e: {  	v60 =	vshll.u32 v3, $0x3  }
0x8f: {  	v3 =	vand.u32 $0x7, v3;
	v4 =	vand.u32 $0xFFFFFFC0, v60  }
0x90: {  	v3 =	vor.u32 v3, v4  }
0x91: {  	v4 =	vperm.xlane v3, v0;
	_ =	sdelay $0x1  }
0x92: {  	v4 =	vadd.s32 v1, v4;
	_ =	sdelay $0x3  }
0x93: {  	s2 =	rddreg [dreg:$0x1e]  }
0x94: {  	[tilespmem:s10], [sflag:$0x5] =	stream.indirect_vreg.gather [hbm4b:s1+s4], $0x80, v4, vm0, $0xb8;
	[tilespmem:$0x1E100] =	vst v63  }
0x95: {  	s3 =	rddreg [dreg:$0x1f];
	v3 =	vperm.xlane v3, v2  }
0x96: {  	[tilespmem:s2], [sflag:$0x5] =	stream.indirect_vreg.gather [hbm4b:s6+s4], $0x80, v4, vm0, $0xb8;
	[tilespmem:$0x1E100] =	vst v63  }
0x97: {  	s14 =	sld [smem:$0x7F2];
	v3 =	vadd.s32 v1, v3  }
0x98: {  	[tilespmem:s3], [sflag:$0x5] =	stream.indirect_vreg.gather [hbm4b:s7+s4], $0x80, v4, vm0, $0xb8;
	[tilespmem:$0x1E100] =	vst v63  }
0x99: {  	s16 =	sld [smem:$0x7F3]  }
0x9a: {  	[tilespmem:s14], [sflag:$0x5] =	stream.indirect_vreg.gather [hbm4b:s8+s4], $0x80, v4, vm0, $0xb8;
	[tilespmem:$0x1E100] =	vst v63  }
0x9b: {  	s21 =	sld [smem:$0x7F4]  }
0x9c: {  	[tilespmem:s16], [sflag:$0x5] =	stream.indirect_vreg.gather [hbm4b:s1+s4], $0x80, v3, vm0, $0xb8;
	[tilespmem:$0x1E100] =	vst v63  }
0x9d: {  	s22 =	sld [smem:$0x7F5]  }
0x9e: {  	[tilespmem:s21], [sflag:$0x5] =	stream.indirect_vreg.gather [hbm4b:s6+s4], $0x80, v3, vm0, $0xb8;
	[tilespmem:$0x1E100] =	vst v63  }
0x9f: {  	s0 =	sld [smem:$0x7F6]  }
0xa0: {  	[tilespmem:s22], [sflag:$0x5] =	stream.indirect_vreg.gather [hbm4b:s7+s4], $0x80, v3, vm0, $0xb8;
	[tilespmem:$0x1E100] =	vst v63  }
0xa1: {  	_ = 	snop  }
0xa2: {  	[tilespmem:s0], [sflag:$0x5] =	stream.indirect_vreg.gather [hbm4b:s8+s4], $0x80, v3, vm0, $0xb8;
	[tilespmem:$0x1E100] =	vst v63  }
0xa3: {  	v3 =	vld [tilespmem:$0x50];
	_ =	sdelay $0x4  }
0xa4: {  	v61 =	vshll.u32 v3, $0x3  }
0xa5: {  	v3 =	vand.u32 $0x7, v3;
	v4 =	vand.u32 $0xFFFFFFC0, v61  }
0xa6: {  	v3 =	vor.u32 v3, v4  }
0xa7: {  	v4 =	vperm.xlane v3, v0;
	_ =	sdelay $0x1  }
0xa8: {  	v4 =	vadd.s32 v1, v4;
	_ =	sdelay $0x3  }
0xa9: {  	s2 =	sld [smem:$0x7F7]  }
0xaa: {  	[tilespmem:s9], [sflag:$0x6] =	stream.indirect_vreg.gather [hbm4b:s1+s4], $0x80, v4, vm0, $0xb8;
	[tilespmem:$0x1E100] =	vst v63  }
0xab: {  	s3 =	sld [smem:$0x7F8];
	v3 =	vperm.xlane v3, v2  }
0xac: {  	[tilespmem:s2], [sflag:$0x6] =	stream.indirect_vreg.gather [hbm4b:s6+s4], $0x80, v4, vm0, $0xb8;
	[tilespmem:$0x1E100] =	vst v63  }
0xad: {  	s14 =	sld [smem:$0x7F9];
	v3 =	vadd.s32 v1, v3  }
0xae: {  	[tilespmem:s3], [sflag:$0x6] =	stream.indirect_vreg.gather [hbm4b:s7+s4], $0x80, v4, vm0, $0xb8;
	[tilespmem:$0x1E100] =	vst v63  }
0xaf: {  	s16 =	sld [smem:$0x7FA]  }
0xb0: {  	[tilespmem:s14], [sflag:$0x6] =	stream.indirect_vreg.gather [hbm4b:s8+s4], $0x80, v4, vm0, $0xb8;
	[tilespmem:$0x1E100] =	vst v63  }
0xb1: {  	s21 =	sld [smem:$0x7FB]  }
0xb2: {  	[tilespmem:s16], [sflag:$0x6] =	stream.indirect_vreg.gather [hbm4b:s1+s4], $0x80, v3, vm0, $0xb8;
	[tilespmem:$0x1E100] =	vst v63  }
0xb3: {  	s22 =	sld [smem:$0x7FC]  }
0xb4: {  	[tilespmem:s21], [sflag:$0x6] =	stream.indirect_vreg.gather [hbm4b:s6+s4], $0x80, v3, vm0, $0xb8;
	[tilespmem:$0x1E100] =	vst v63  }
0xb5: {  	s0 =	sld [smem:$0x7FD]  }
0xb6: {  	[tilespmem:s22], [sflag:$0x6] =	stream.indirect_vreg.gather [hbm4b:s7+s4], $0x80, v3, vm0, $0xb8;
	[tilespmem:$0x1E100] =	vst v63  }
0xb7: {  	s2 =	sld [smem:$0x7EE]  }
0xb8: {  	[tilespmem:s0], [sflag:$0x6] =	stream.indirect_vreg.gather [hbm4b:s8+s4], $0x80, v3, vm0, $0xb8;
	[tilespmem:$0x1E100] =	vst v63  }
0xb9: {  	s30 =	simm.s32 @p0 $0x0;
	s31 =	simm.s32 @p0 $0x88  }
0xba: {  	[tilespmem:s31], [sflag:$0xE] =	stream.linear.gather @p0 [hbm4b:s2+s30], $0x8, $0x38;
	[tilespmem:$0x1E100] =	vst v63  }
0xbb: {  	s31 =	simm.s32 @p0 $0xE  }
0xbc: {  	_ =	swait.ge @p0 [sflag:s31], $0x8  }
0xbd: {  	[sflag:s31] =	ssyncset.done @p0 $0x0  }
0xbe: {  	s0 =	simm.s32 @p0 $0x80;
	[sflag:s31] =	ssyncadd.s32 @p0 $0xFFFFFFF8  }
0xbf: {  	[tilespmem:s0], [sflag:$0xE] =	stream.linear.gather @p0 [hbm4b:s2+s30], $0x9, $0x38;
	[tilespmem:$0x1E100] =	vst v63  }
0xc0: {  	_ =	swait.ge @p0 [sflag:s31], $0x9  }
0xc1: {  	[sflag:s31] =	ssyncset.done @p0 $0x0  }
0xc2: {  	[sflag:s31] =	ssyncadd.s32 @p0 $0xFFFFFFF7  }
0xc3: {  	v3 =	vld @p0 [tilespmem:$0x80];
	_ =	sdelay $0x4  }
0xc4: {  	v4 =	vshll.u32 @p0 v3, $0x3  }
0xc5: {  	v5 =	vlaneseq.u32 @p0;
	v3 =	vand.u32 @p0 $0x7, v3;
	v4 =	vand.u32 @p0 $0xFFFFFFC0, v4  }
0xc6: {  	v6 =	vshrl.u32 @p0 v5, $0x3;
	v3 =	vor.u32 @p0 v3, v4;
	v4 =	vand.u32 @p0 $0x7, v5  }
0xc7: {  	v6 =	vmul.u32 @p0 $0x8, v6;
	v7 =	vperm.xlane @p0 v3, v4;
	_ =	sdelay $0x1  }
0xc8: {  	v7 =	vadd.s32 @p0 v6, v7;
	_ =	sdelay $0x3  }
0xc9: {  	s0 =	simm.s32 @p0 $0x2100  }
0xca: {  	v5 =	vor.u32 @p0 $0x8, v5;
	[tilespmem:s0], [sflag:$0xD] =	stream.indirect_vreg.gather @p0 [hbm4b:s1+s30], $0x80, v7, vm1, $0xb8;
	[tilespmem:$0x1E100] =	vst v63  }
0xcb: {  	s31 =	simm.s32 @p0 $0x2900;
	v3 =	vperm.xlane @p0 v3, v5  }
0xcc: {  	[tilespmem:s31], [sflag:$0xD] =	stream.indirect_vreg.gather @p0 [hbm4b:s6+s30], $0x80, v7, vm1, $0xb8;
	[tilespmem:$0x1E100] =	vst v63  }
0xcd: {  	s3 =	simm.s32 @p0 $0x3100;
	v3 =	vadd.s32 @p0 v6, v3  }
0xce: {  	[tilespmem:s3], [sflag:$0xD] =	stream.indirect_vreg.gather @p0 [hbm4b:s7+s30], $0x80, v7, vm1, $0xb8;
	[tilespmem:$0x1E100] =	vst v63  }
0xcf: {  	s2 =	simm.s32 @p0 $0x3900  }
0xd0: {  	[tilespmem:s2], [sflag:$0xD] =	stream.indirect_vreg.gather @p0 [hbm4b:s8+s30], $0x80, v7, vm1, $0xb8;
	[tilespmem:$0x1E100] =	vst v63  }
0xd1: {  	s16 =	simm.s32 @p0 $0x4100  }
0xd2: {  	[tilespmem:s16], [sflag:$0xD] =	stream.indirect_vreg.gather @p0 [hbm4b:s1+s30], $0x80, v3, vm1, $0xb8;
	[tilespmem:$0x1E100] =	vst v63  }
0xd3: {  	s14 =	simm.s32 @p0 $0x4900  }
0xd4: {  	[tilespmem:s14], [sflag:$0xD] =	stream.indirect_vreg.gather @p0 [hbm4b:s6+s30], $0x80, v3, vm1, $0xb8;
	[tilespmem:$0x1E100] =	vst v63  }
0xd5: {  	s21 =	simm.s32 @p0 $0x5100  }
0xd6: {  	[tilespmem:s21], [sflag:$0xD] =	stream.indirect_vreg.gather @p0 [hbm4b:s7+s30], $0x80, v3, vm1, $0xb8;
	[tilespmem:$0x1E100] =	vst v63  }
0xd7: {  	s22 =	simm.s32 @p0 $0x5900  }
0xd8: {  	[tilespmem:s22], [sflag:$0xD] =	stream.indirect_vreg.gather @p0 [hbm4b:s8+s30], $0x80, v3, vm1, $0xb8;
	[tilespmem:$0x1E100] =	vst v63  }
0xd9: {  	v3 =	vld @p0 [tilespmem:$0x80];
	_ =	sdelay $0x4  }
0xda: {  	v7 =	vshll.u32 @p0 v3, $0x3  }
0xdb: {  	v3 =	vand.u32 @p0 $0x7, v3;
	v7 =	vand.u32 @p0 $0xFFFFFFC0, v7  }
0xdc: {  	v3 =	vor.u32 @p0 v3, v7  }
0xdd: {  	v4 =	vperm.xlane @p0 v3, v4;
	_ =	sdelay $0x1  }
0xde: {  	v4 =	vadd.s32 @p0 v6, v4;
	_ =	sdelay $0x4  }
0xdf: {  	[tilespmem:s0], [sflag:$0xD] =	stream.indirect_vreg.gather @p0 [hbm4b:s1+s30], $0x80, v4, vm1, $0xb8;
	[tilespmem:$0x1E100] =	vst v63  }
0xe0: {  	v3 =	vperm.xlane @p0 v3, v5  }
0xe1: {  	[tilespmem:s31], [sflag:$0xD] =	stream.indirect_vreg.gather @p0 [hbm4b:s6+s30], $0x80, v4, vm1, $0xb8;
	[tilespmem:$0x1E100] =	vst v63  }
0xe2: {  	v3 =	vadd.s32 @p0 v6, v3  }
0xe3: {  	[tilespmem:s3], [sflag:$0xD] =	stream.indirect_vreg.gather @p0 [hbm4b:s7+s30], $0x80, v4, vm1, $0xb8;
	[tilespmem:$0x1E100] =	vst v63  }
0xe4: {  	_ = 	snop  }
0xe5: {  	[tilespmem:s2], [sflag:$0xD] =	stream.indirect_vreg.gather @p0 [hbm4b:s8+s30], $0x80, v4, vm1, $0xb8;
	[tilespmem:$0x1E100] =	vst v63  }
0xe6: {  	_ = 	snop  }
0xe7: {  	[tilespmem:s16], [sflag:$0xD] =	stream.indirect_vreg.gather @p0 [hbm4b:s1+s30], $0x80, v3, vm1, $0xb8;
	[tilespmem:$0x1E100] =	vst v63  }
0xe8: {  	_ = 	snop  }
0xe9: {  	[tilespmem:s14], [sflag:$0xD] =	stream.indirect_vreg.gather @p0 [hbm4b:s6+s30], $0x80, v3, vm1, $0xb8;
	[tilespmem:$0x1E100] =	vst v63  }
0xea: {  	_ = 	snop  }
0xeb: {  	[tilespmem:s21], [sflag:$0xD] =	stream.indirect_vreg.gather @p0 [hbm4b:s7+s30], $0x80, v3, vm1, $0xb8;
	[tilespmem:$0x1E100] =	vst v63  }
0xec: {  	_ = 	snop  }
0xed: {  	[tilespmem:s22], [sflag:$0xD] =	stream.indirect_vreg.gather @p0 [hbm4b:s8+s30], $0x80, v3, vm1, $0xb8;
	[tilespmem:$0x1E100] =	vst v63  }
0xee: {  	v3 =	vld.msk @!p3 [tilespmem:$0x0], $0xff;
	_ =	sdelay $0x4  }
0xef: {  	v4 =	vshll.u32 @!p3 v3, $0x3  }
0xf0: {  	v5 =	vlaneseq.u32 @!p3;
	v3 =	vand.u32 @!p3 $0x7, v3;
	v4 =	vand.u32 @!p3 $0xFFFFFFC0, v4  }
0xf1: {  	v3 =	vor.u32 @!p3 v3, v4;
	v4 =	vand.u32 @!p3 $0x7, v5;
	v5 =	vshrl.u32 @!p3 v5, $0x3  }
0xf2: {  	v3 =	vperm.xlane @!p3 v3, v4;
	v5 =	vmul.u32 @!p3 $0x8, v5;
	_ =	sdelay $0x1  }
0xf3: {  	v3 =	vadd.s32 @!p3 v5, v3;
	_ =	sdelay $0x2  }
0xf4: {  	s21 =	rddreg [dreg:$0x1]  }
0xf5: {  	s0 =	simm.s32 @!p3 $0x0;
	s2 =	simm.s32 @!p3 $0x100;
	s22 =	sld [smem:$0x7EF]  }
0xf6: {  	[tilespmem:s2], [sflag:$0xD] =	stream.indirect_vreg.gather @!p3 [hbm4b:s21+s0], $0x80, v3, vm2, $0xb8;
	[tilespmem:$0x1E100] =	vst v63  }
0xf7: {  	s3 =	simm.s32 @!p3 $0x900;
	s30 =	sld [smem:$0x7F0]  }
0xf8: {  	[tilespmem:s3], [sflag:$0xD] =	stream.indirect_vreg.gather @!p3 [hbm4b:s22+s0], $0x80, v3, vm2, $0xb8;
	[tilespmem:$0x1E100] =	vst v63  }
0xf9: {  	s31 =	sld [smem:$0x7F1];
	s14 =	simm.s32 @!p3 $0x1100  }
0xfa: {  	[tilespmem:s14], [sflag:$0xD] =	stream.indirect_vreg.gather @!p3 [hbm4b:s30+s0], $0x80, v3, vm2, $0xb8;
	[tilespmem:$0x1E100] =	vst v63  }
0xfb: {  	s16 =	simm.s32 @!p3 $0x1900  }
0xfc: {  	[tilespmem:s16], [sflag:$0xD] =	stream.indirect_vreg.gather @!p3 [hbm4b:s31+s0], $0x80, v3, vm2, $0xb8;
	[tilespmem:$0x1E100] =	vst v63  }
0xfd: {  	v3 =	vld.msk @!p3 [tilespmem:$0x0], $0xff;
	_ =	sdelay $0x4  }
0xfe: {  	v6 =	vshll.u32 @!p3 v3, $0x3  }
0xff: {  	v3 =	vand.u32 @!p3 $0x7, v3;
	v6 =	vand.u32 @!p3 $0xFFFFFFC0, v6  }
0x100: {  	v3 =	vor.u32 @!p3 v3, v6  }
0x101: {  	v3 =	vperm.xlane @!p3 v3, v4;
	_ =	sdelay $0x1  }
0x102: {  	v3 =	vadd.s32 @!p3 v5, v3;
	_ =	sdelay $0x4  }
0x103: {  	[tilespmem:s2], [sflag:$0xD] =	stream.indirect_vreg.gather @!p3 [hbm4b:s21+s0], $0x80, v3, vm2, $0xb8;
	[tilespmem:$0x1E100] =	vst v63  }
0x104: {  	_ = 	snop  }
0x105: {  	[tilespmem:s3], [sflag:$0xD] =	stream.indirect_vreg.gather @!p3 [hbm4b:s22+s0], $0x80, v3, vm2, $0xb8;
	[tilespmem:$0x1E100] =	vst v63  }
0x106: {  	_ = 	snop  }
0x107: {  	[tilespmem:s14], [sflag:$0xD] =	stream.indirect_vreg.gather @!p3 [hbm4b:s30+s0], $0x80, v3, vm2, $0xb8;
	[tilespmem:$0x1E100] =	vst v63  }
0x108: {  	_ = 	snop  }
0x109: {  	[tilespmem:s16], [sflag:$0xD] =	stream.indirect_vreg.gather @!p3 [hbm4b:s31+s0], $0x80, v3, vm2, $0xb8;
	[tilespmem:$0x1E100] =	vst v63  }
0x10a: {  	_ =	swait.ge [sflag:s17], $0x4000  }
0x10b: {  	s2 =	sld [smem:$0x7ED]  }
0x10c: {  	[sflag:s17] =	ssyncset.done $0x0  }
0x10d: {  	[sflag:s17] =	ssyncadd.s32 $0xFFFFC000  }
0x10e: {  	[hbm4b:s2+s4] =	stream.linear.scatter [tilespmem:s23], [sflag:$0x7], $0x4000, $0x38;
	[tilespmem:$0x1E100] =	vst v63  }
0x10f: {  	_ =	swait.ge [sflag:s18], $0x4000  }
0x110: {  	[sflag:s18] =	ssyncset.done $0x0  }
0x111: {  	[sflag:s18] =	ssyncadd.s32 $0xFFFFC000  }
0x112: {  	v3 =	vld [tilespmem:$0x60];
	_ =	sdelay $0x4  }
0x113: {  	v62 =	vshll.u32 v3, $0x3  }
0x114: {  	v3 =	vand.u32 $0x7, v3;
	v4 =	vand.u32 $0xFFFFFFC0, v62  }
0x115: {  	v3 =	vor.u32 v3, v4  }
0x116: {  	v4 =	vperm.xlane v3, v0;
	_ =	sdelay $0x1  }
0x117: {  	v4 =	vadd.s32 v1, v4;
	_ =	sdelay $0x4  }
0x118: {  	[tilespmem:s23], [sflag:$0x1] =	stream.indirect_vreg.gather [hbm4b:s1+s4], $0x80, v4, vm0, $0xb8;
	[tilespmem:$0x1E100] =	vst v63  }
0x119: {  	v3 =	vperm.xlane v3, v2  }
0x11a: {  	[tilespmem:s24], [sflag:$0x1] =	stream.indirect_vreg.gather [hbm4b:s6+s4], $0x80, v4, vm0, $0xb8;
	[tilespmem:$0x1E100] =	vst v63  }
0x11b: {  	v3 =	vadd.s32 v1, v3  }
0x11c: {  	[tilespmem:s12], [sflag:$0x1] =	stream.indirect_vreg.gather [hbm4b:s7+s4], $0x80, v4, vm0, $0xb8;
	[tilespmem:$0x1E100] =	vst v63  }
0x11d: {  	_ = 	snop  }
0x11e: {  	[tilespmem:s25], [sflag:$0x1] =	stream.indirect_vreg.gather [hbm4b:s8+s4], $0x80, v4, vm0, $0xb8;
	[tilespmem:$0x1E100] =	vst v63  }
0x11f: {  	_ = 	snop  }
0x120: {  	[tilespmem:s26], [sflag:$0x1] =	stream.indirect_vreg.gather [hbm4b:s1+s4], $0x80, v3, vm0, $0xb8;
	[tilespmem:$0x1E100] =	vst v63  }
0x121: {  	_ = 	snop  }
0x122: {  	[tilespmem:s28], [sflag:$0x1] =	stream.indirect_vreg.gather [hbm4b:s6+s4], $0x80, v3, vm0, $0xb8;
	[tilespmem:$0x1E100] =	vst v63  }
0x123: {  	_ = 	snop  }
0x124: {  	[tilespmem:s29], [sflag:$0x1] =	stream.indirect_vreg.gather [hbm4b:s7+s4], $0x80, v3, vm0, $0xb8;
	[tilespmem:$0x1E100] =	vst v63  }
0x125: {  	_ = 	snop  }
0x126: {  	[tilespmem:s15], [sflag:$0x1] =	stream.indirect_vreg.gather [hbm4b:s8+s4], $0x80, v3, vm0, $0xb8;
	[tilespmem:$0x1E100] =	vst v63  }
0x127: {  	_ =	swait.ge [sflag:s19], $0x4000  }
0x128: {  	[sflag:s19] =	ssyncset.done $0x0  }
0x129: {  	s3 =	rddreg [dreg:$0x8];
	[sflag:s19] =	ssyncadd.s32 $0xFFFFC000  }
0x12a: {  	[hbm4b:s3+s4] =	stream.linear.scatter [tilespmem:s5], [sflag:$0x8], $0x4000, $0x38;
	[tilespmem:$0x1E100] =	vst v63  }
0x12b: {  	_ =	swait.ge [sflag:s20], $0x4000  }
0x12c: {  	[sflag:s20] =	ssyncset.done $0x0  }
0x12d: {  	[sflag:s20] =	ssyncadd.s32 $0xFFFFC000  }
0x12e: {  	v3 =	vld [tilespmem:$0x70];
	_ =	sdelay $0x4  }
0x12f: {  	v63 =	vshll.u32 v3, $0x3  }
0x130: {  	v3 =	vand.u32 $0x7, v3;
	v4 =	vand.u32 $0xFFFFFFC0, v63  }
0x131: {  	v3 =	vor.u32 v3, v4  }
0x132: {  	v4 =	vperm.xlane v3, v0;
	_ =	sdelay $0x1  }
0x133: {  	v4 =	vadd.s32 v1, v4;
	_ =	sdelay $0x4  }
0x134: {  	[tilespmem:s5], [sflag:$0x2] =	stream.indirect_vreg.gather [hbm4b:s1+s4], $0x80, v4, vm0, $0xb8;
	[tilespmem:$0x1E100] =	vst v63  }
0x135: {  	s14 =	simm.s32 $0xA900;
	v3 =	vperm.xlane v3, v2  }
0x136: {  	[tilespmem:s14], [sflag:$0x2] =	stream.indirect_vreg.gather [hbm4b:s6+s4], $0x80, v4, vm0, $0xb8;
	[tilespmem:$0x1E100] =	vst v63  }
0x137: {  	s16 =	simm.s32 $0xB100;
	v3 =	vadd.s32 v1, v3  }
0x138: {  	[tilespmem:s16], [sflag:$0x2] =	stream.indirect_vreg.gather [hbm4b:s7+s4], $0x80, v4, vm0, $0xb8;
	[tilespmem:$0x1E100] =	vst v63  }
0x139: {  	s21 =	simm.s32 $0xB900  }
0x13a: {  	[tilespmem:s21], [sflag:$0x2] =	stream.indirect_vreg.gather [hbm4b:s8+s4], $0x80, v4, vm0, $0xb8;
	[tilespmem:$0x1E100] =	vst v63  }
0x13b: {  	s22 =	simm.s32 $0xC100  }
0x13c: {  	[tilespmem:s22], [sflag:$0x2] =	stream.indirect_vreg.gather [hbm4b:s1+s4], $0x80, v3, vm0, $0xb8;
	[tilespmem:$0x1E100] =	vst v63  }
0x13d: {  	s30 =	simm.s32 $0xC900  }
0x13e: {  	[tilespmem:s30], [sflag:$0x2] =	stream.indirect_vreg.gather [hbm4b:s6+s4], $0x80, v3, vm0, $0xb8;
	[tilespmem:$0x1E100] =	vst v63  }
0x13f: {  	s31 =	simm.s32 $0xD100  }
0x140: {  	[tilespmem:s31], [sflag:$0x2] =	stream.indirect_vreg.gather [hbm4b:s7+s4], $0x80, v3, vm0, $0xb8;
	[tilespmem:$0x1E100] =	vst v63  }
0x141: {  	s2 =	simm.s32 $0xD900;
	s3 =	simm.s32 $0x3  }
0x142: {  	[tilespmem:s2], [sflag:$0x2] =	stream.indirect_vreg.gather [hbm4b:s8+s4], $0x80, v3, vm0, $0xb8;
	[tilespmem:$0x1E100] =	vst v63  }
0x143: {  	_ =	swait.ge [sflag:s3], $0x4000  }
0x144: {  	s16 =	simm.s32 $0xE100;
	[sflag:s3] =	ssyncset.done $0x0  }
0x145: {  	s21 =	simm.s32 $0x4;
	s14 =	rddreg [dreg:$0x9];
	[sflag:s3] =	ssyncadd.s32 $0xFFFFC000  }
0x146: {  	[hbm4b:s14+s4] =	stream.linear.scatter [tilespmem:s16], [sflag:$0x9], $0x4000, $0x38;
	[tilespmem:$0x1E100] =	vst v63  }
0x147: {  	_ =	swait.ge [sflag:s21], $0x4000  }
0x148: {  	[sflag:s21] =	ssyncset.done $0x0  }
0x149: {  	s30 =	simm.s32 $0x5;
	s22 =	rddreg [dreg:$0xa];
	[sflag:s21] =	ssyncadd.s32 $0xFFFFC000  }
0x14a: {  	[hbm4b:s22+s4] =	stream.linear.scatter [tilespmem:s11], [sflag:$0xA], $0x4000, $0x38;
	[tilespmem:$0x1E100] =	vst v63  }
0x14b: {  	_ =	swait.ge [sflag:s30], $0x4000  }
0x14c: {  	[sflag:s30] =	ssyncset.done $0x0  }
0x14d: {  	s0 =	simm.s32 $0x6;
	s31 =	rddreg [dreg:$0xb];
	[sflag:s30] =	ssyncadd.s32 $0xFFFFC000  }
0x14e: {  	[hbm4b:s31+s4] =	stream.linear.scatter [tilespmem:s10], [sflag:$0xB], $0x4000, $0x38;
	[tilespmem:$0x1E100] =	vst v63  }
0x14f: {  	_ =	swait.ge [sflag:s0], $0x4000  }
0x150: {  	[sflag:s0] =	ssyncset.done $0x0  }
0x151: {  	s3 =	rddreg [dreg:$0xc];
	[sflag:s0] =	ssyncadd.s32 $0xFFFFC000  }
0x152: {  	[hbm4b:s3+s4] =	stream.linear.scatter [tilespmem:s9], [sflag:$0xC], $0x4000, $0x38;
	[tilespmem:$0x1E100] =	vst v63  }
0x153: {  	_ =	swait.ge [sflag:s17], $0x4000  }
0x154: {  	[sflag:s17] =	ssyncset.done $0x0  }
0x155: {  	s14 =	rddreg [dreg:$0xd];
	[sflag:s17] =	ssyncadd.s32 $0xFFFFC000  }
0x156: {  	[hbm4b:s14+s4] =	stream.linear.scatter [tilespmem:s23], [sflag:$0x7], $0x4000, $0x38;
	[tilespmem:$0x1E100] =	vst v63  }
0x157: {  	_ =	swait.ge [sflag:s19], $0x4000  }
0x158: {  	[sflag:s19] =	ssyncset.done $0x0  }
0x159: {  	s21 =	simm.s32 $0x9;
	s16 =	rddreg [dreg:$0xe];
	[sflag:s19] =	ssyncadd.s32 $0xFFFFC000  }
0x15a: {  	[hbm4b:s16+s4] =	stream.linear.scatter [tilespmem:s5], [sflag:$0x8], $0x4000, $0x38;
	[tilespmem:$0x1E100] =	vst v63  }
0x15b: {  	_ =	swait.ge [sflag:s21], $0x4000  }
0x15c: {  	[sflag:s21] =	ssyncset.done $0x0  }
0x15d: {  	s22 =	simm.s32 $0xA;
	[sflag:s21] =	ssyncadd.s32 $0xFFFFC000  }
0x15e: {  	_ =	swait.ge [sflag:s22], $0x4000  }
0x15f: {  	[sflag:s22] =	ssyncset.done $0x0  }
0x160: {  	s30 =	simm.s32 $0xB;
	[sflag:s22] =	ssyncadd.s32 $0xFFFFC000  }
0x161: {  	_ =	swait.ge [sflag:s30], $0x4000  }
0x162: {  	[sflag:s30] =	ssyncset.done $0x0  }
0x163: {  	s31 =	simm.s32 $0xC;
	[sflag:s30] =	ssyncadd.s32 $0xFFFFC000  }
0x164: {  	_ =	swait.ge [sflag:s31], $0x4000  }
0x165: {  	[sflag:s31] =	ssyncset.done $0x0  }
0x166: {  	[sflag:s31] =	ssyncadd.s32 $0xFFFFC000  }
0x167: {  	_ =	swait.ge [sflag:s18], $0x4000  }
0x168: {  	[sflag:s18] =	ssyncset.done $0x0  }
0x169: {  	[sflag:s18] =	ssyncadd.s32 $0xFFFFC000  }
0x16a: {  	_ =	swait.ge [sflag:s20], $0x4000  }
0x16b: {  	[sflag:s20] =	ssyncset.done $0x0  }
0x16c: {  	s0 =	simm.s32 @!p1 $0xD;
	[sflag:s20] =	ssyncadd.s32 $0xFFFFC000  }
0x16d: {  	_ =	swait.ge @!p1 [sflag:s0], $0x2000  }
0x16e: {  	s3 =	simm.s32 @!p1 $0x100;
	[sflag:s0] =	ssyncset.done @!p1 $0x0  }
0x16f: {  	s2 =	rddreg [dreg:$0x6];
	[sflag:s0] =	ssyncadd.s32 @!p1 $0xFFFFE000;
	s0 =	simm.s32 @!p1 $0x0  }
0x170: {  	[hbm4b:s2+s0] =	stream.linear.scatter @!p1 [tilespmem:s3], [sflag:$0xE], $0x2000, $0x38;
	[tilespmem:$0x1E100] =	vst v63  }
0x171: {  	p6 =	por @!p3 $0x0, $0x0;
	s0 =	simm.s32 @!p1 $0xE  }
0x172: {  	p5 =	por @p0 $0x1, $0x1;
	p6 =	por @!p4 p2, p2;
	_ =	swait.ge @!p1 [sflag:s0], $0x2000  }
0x173: {  	p5 =	por @!p0 p6, p6;
	[sflag:s0] =	ssyncset.done @!p1 $0x0  }
0x174: {  	[sflag:s0] =	ssyncadd.s32 @!p1 $0xFFFFE000;
	s0 =	simm.s32 @p5 $0xD  }
0x175: {  	s13 =	sadd.s32 $0xFFFFFFFF, s13;
	_ =	swait.ge @p5 [sflag:s0], $0x4000  }
0x176: {  	p6 =	sne.s32 s13, $0x0;
	s3 =	simm.s32 @p5 $0x4100;
	[sflag:s0] =	ssyncset.done @p5 $0x0  }
0x177: {  	s2 =	rddreg [dreg:$0xf];
	[sflag:s0] =	ssyncadd.s32 @p5 $0xFFFFC000;
	s0 =	simm.s32 @p5 $0x0  }
0x178: {  	[hbm4b:s2+s0] =	stream.linear.scatter @p5 [tilespmem:s3], [sflag:$0xE], $0x2000, $0x38;
	[tilespmem:$0x1E100] =	vst v63  }
.Ltmp0:
0x179: {  	_ = 	snop;
	(pc) =	sbr.rel @p6 .LBB2_1-.Ltmp0, $4  }
0x17a: {  	s0 =	simm.s32 @p5 $0xE  }
0x17b: {  	_ =	swait.ge @p5 [sflag:s0], $0x2000  }
0x17c: {  	[sflag:s0] =	ssyncset.done @p5 $0x0  }
0x17d: {  	[sflag:s0] =	ssyncadd.s32 @p5 $0xFFFFE000  }
0x17e: {  	_ =	sfence.sel $0x180000  }
0x17f: {  	[bflag:$0x0] =	sbarrier.arrive $0xFFFF  }
0x180: {  	_ =	strace $0x90000047  }
0x181: {  	s0 =	stileid.u32;
	[bflag:$0x2] =	sbarrier.arrive $0xFFFF  }
0x182: {  	p0 =	sne.s32 s0, $0x0;
	s0 =	rddreg [dreg:$0x5]  }
0x183: {  	s0 =	sadd.s32 @!p0 $0x100000, s0  }
0x184: {  	[sflag:s0] =	ssyncadd.tile.s32 @!p0 $0x1;
	_ =	shalt  }
.Lfunc_end2:
_tile_overlayer_lowered:
.L_overlay_start_2:
0x185: {  	(tag) =	ssettag $0x2  }
0x186: {  	s0 =	rddreg [dreg:$0x0];
	s2 =	stileid.u32  }
0x187: {  	s1 =	rddreg [dreg:$0x1];
	p0 =	sne.s32 s2, $0x0  }
0x188: {  	s3 =	rddreg [dreg:$0x2];
	[bflag:$0x3] =	sbarrier.arrive $0xFFFF;
	s2 =	simm.s32 @!p0 $0x1C0E  }
0x189: {  	[timem:s3], [sflag:s2] =	dma.local @!p0 [hbm:s0], s1  }
0x18a: {  	s0 =	simm.s32 @!p0 $0xE  }
0x18b: {  	_ =	swait.ge @!p0 [sflag:s0], s1  }
0x18c: {  	s1 =	ssub.s32 @!p0 $0x0, s1;
	[sflag:s0] =	ssyncset.done @!p0 $0x0  }
0x18d: {  	[sflag:s0] =	ssyncadd.s32 @!p0 s1  }
0x18e: {  	[bflag:$0x3] =	sbarrier.arrive $0xFFFF  }
0x18f: {  	_ =	shalt  }

</sc_bundles>
